<compile_context>
chip_gen: v7x
topology: tpu7x:2x2x1
jax: 0.10.2.dev20260603
libtpu: 0.0.44.dev20260713+nightly
codegen_flags: <defaults>
</compile_context>

<pallas_src>
import functools

import jax
import jax.numpy as jnp
from jax import lax
from jax.experimental import pallas as pl
from jax.experimental.pallas import tpu as pltpu
from jax.experimental.pallas import tpu_sc as plsc

BATCH = 16384
EMBED_K = 16
NUM_ROWS = 1000000
NUM_CORES = 2
NUM_SUBCORES = 16
NUM_WORKERS = NUM_CORES * NUM_SUBCORES
BPW = BATCH // NUM_WORKERS
NBLK = BPW // 16


def _build():
    mesh = plsc.VectorSubcoreMesh(core_axis_name="c", subcore_axis_name="s")

    @functools.partial(
        pl.kernel,
        mesh=mesh,
        compiler_params=pltpu.CompilerParams(needs_layout_passes=False),
        out_type=jax.ShapeDtypeStruct((BATCH,), jnp.float32),
        scratch_types=[
            pltpu.VMEM((NBLK, 16), jnp.int32),
            pltpu.VMEM((NBLK, 16), jnp.int32),
            pltpu.VMEM((16, EMBED_K, 128), jnp.float32),
            pltpu.VMEM((16, EMBED_K, 128), jnp.float32),
            pltpu.VMEM((BPW,), jnp.float32),
            pltpu.SemaphoreType.DMA,
        ],
    )
    def body(xu_hbm, xi_hbm, wt_hbm, ht_hbm, out_hbm, iu, ii, u, v, o, sem):
        wid = lax.axis_index("s") * NUM_CORES + lax.axis_index("c")

        pltpu.sync_copy(xu_hbm.at[wid], iu)
        pltpu.sync_copy(xi_hbm.at[wid], ii)

        lane = lax.iota(jnp.int32, 16)
        kvecs = [jnp.full((16,), k, jnp.int32) for k in range(EMBED_K)]

        def blk(b, carry):
            bu = iu[b]
            bv = ii[b]
            cu = bu & 127
            cv = bv & 127
            tu = lax.shift_right_logical(bu, 7) * 128
            tv = lax.shift_right_logical(bv, 7) * 128
            copies = []
            for j in range(16):
                src_u = wt_hbm.at[:, pl.ds(pl.multiple_of(tu[j], 128), 128)]
                src_v = ht_hbm.at[:, pl.ds(pl.multiple_of(tv[j], 128), 128)]
                copies.append(pltpu.async_copy(src_u, u.at[j], sem))
                copies.append(pltpu.async_copy(src_v, v.at[j], sem))
            for cp in copies:
                cp.wait()

            acc = plsc.load_gather(u, [lane, kvecs[0], cu]) * \
                plsc.load_gather(v, [lane, kvecs[0], cv])
            for k in range(1, EMBED_K):
                acc = acc + plsc.load_gather(u, [lane, kvecs[k], cu]) * \
                    plsc.load_gather(v, [lane, kvecs[k], cv])
            o[pl.ds(b * 16, 16)] = 1.0 / (1.0 + jnp.exp(-acc))
            return carry

        lax.fori_loop(0, NBLK, blk, 0)

        pltpu.sync_copy(o, out_hbm.at[pl.ds(wid * BPW, BPW)])

    return body


_KERNEL = _build()


def kernel(x, W, H):
    xu = x[:, 0].reshape(NUM_WORKERS, NBLK, 16)
    xi = x[:, 1].reshape(NUM_WORKERS, NBLK, 16)
    return _KERNEL(xu, xi, W.T, H.T)

# --- scband reference (transcript-rebuilt; emitter-appended) ---
"""Pipeline reference for scband-mf-ips-at-48172353192643 (READ-ONLY COPY).

The authoritative reference and input builder live on the scoring server;
editing this copy changes nothing except your own understanding.
"""

import jax, jax.numpy as jnp
import numpy as np

NUM_USERS = 1000000
NUM_ITEMS = 1000000
EMBED_K = 16
BATCH = 16384

def setup_inputs(seed: int = 0) -> dict:
    key = jax.random.key(seed)
    k1, k2, k3 = jax.random.split(key, 3)
    x = jax.random.randint(k1, (BATCH, 2), 0, NUM_USERS, dtype=jnp.int32)
    # learned parameters of prediction_model (the one used in predict/inference path)
    W = jax.random.normal(k2, (NUM_USERS, EMBED_K), dtype=jnp.float32)
    H = jax.random.normal(k3, (NUM_ITEMS, EMBED_K), dtype=jnp.float32)
    return {"x": x, "W": W, "H": H}

def reference(x, W, H):
    # MF_IPS_AT.predict: prediction_model.forward(x) followed by sigmoid
    user_idx = x[:, 0]
    item_idx = x[:, 1]
    U_emb = jnp.take(W, user_idx, axis=0)   # gather -> SparseCore embedding lookup
    V_emb = jnp.take(H, item_idx, axis=0)
    out = jnp.sum(U_emb * V_emb, axis=1)
    return jax.nn.sigmoid(out)

if __name__ == "__main__":
    import jax
    _d = setup_inputs()
    print(jax.jit(kernel)(*tuple(_d.values())))

</pallas_src>

<mosaic_0001>
#map = affine_map<(d0, d1) -> (0, 0, 0)>
#map1 = affine_map<(d0, d1) -> (0, 0)>
#map2 = affine_map<(d0, d1) -> (0)>
module attributes {stable_mosaic.version = 14 : i64} {
  func.func @body(%arg0: i32, %arg1: i32, %arg2: memref<32x32x16xi32, #tpu.memory_space<hbm>>, %arg3: memref<32x32x16xi32, #tpu.memory_space<hbm>>, %arg4: memref<16x1000000xf32, #tpu.memory_space<hbm>>, %arg5: memref<16x1000000xf32, #tpu.memory_space<hbm>>, %arg6: memref<16384xf32, #tpu.memory_space<hbm>>, %arg7: memref<32x16xi32, #tpu.memory_space<vmem>>, %arg8: memref<32x16xi32, #tpu.memory_space<vmem>>, %arg9: memref<16x16x128xf32, #tpu.memory_space<vmem>>, %arg10: memref<16x16x128xf32, #tpu.memory_space<vmem>>, %arg11: memref<512xf32, #tpu.memory_space<vmem>>, %arg12: memref<!tpu.dma_semaphore, #tpu.memory_space<semaphore_mem>>) attributes {dimension_semantics = [#tpu.dimension_semantics<core_parallel>, #tpu.dimension_semantics<subcore_parallel>], iteration_bounds = array<i64: 2, 16>, scalar_prefetch = 0 : i64, scratch_operands = 6 : i64, tpu.core_type = #tpu.core_type<sc_vector_subcore>, window_params = [{transform_indices = #map}, {transform_indices = #map}, {transform_indices = #map1}, {transform_indices = #map1}, {transform_indices = #map2}]} {
    %mul3A = arith.constant 2 : i32
    %mul3A_0 = arith.muli %arg1, %mul3A : i32
    %add3A = arith.addi %mul3A_0, %arg0 : i32
    "tpu.region"() ({
      %run_scoped3A = tpu.sem_alloc : memref<!tpu.dma_semaphore, #tpu.memory_space<semaphore_mem>>
      %dma_start3A = arith.constant 0 : i32
      %dma_start3A_39 = arith.constant 0 : i32
      %dma_start3A_40 = tpu.memref_slice %arg2[%add3A, %dma_start3A, %dma_start3A_39] : memref<32x32x16xi32, #tpu.memory_space<hbm>> -> memref<1x32x16xi32, #tpu.memory_space<hbm>>
      %dma_start3A_41 = tpu.memref_squeeze %dma_start3A_40 : memref<1x32x16xi32, #tpu.memory_space<hbm>> -> memref<32x16xi32, #tpu.memory_space<hbm>>
      %dma_start3A_42 = arith.constant 0 : i32
      %dma_start3A_43 = arith.constant 0 : i32
      %dma_start3A_44 = tpu.memref_slice %arg2[%add3A, %dma_start3A_42, %dma_start3A_43] : memref<32x32x16xi32, #tpu.memory_space<hbm>> -> memref<1x32x16xi32, #tpu.memory_space<hbm>>
      %dma_start3A_45 = tpu.memref_squeeze %dma_start3A_44 : memref<1x32x16xi32, #tpu.memory_space<hbm>> -> memref<32x16xi32, #tpu.memory_space<hbm>>
      tpu.enqueue_dma source(%dma_start3A_45 : memref<32x16xi32, #tpu.memory_space<hbm>>) target(%arg7 : memref<32x16xi32, #tpu.memory_space<vmem>>) target_semaphore(%run_scoped3A : memref<!tpu.dma_semaphore, #tpu.memory_space<semaphore_mem>>)
      %dma_wait3A = arith.constant 0 : i32
      %dma_wait3A_46 = arith.constant 0 : i32
      %dma_wait3A_47 = tpu.memref_slice %arg2[%add3A, %dma_wait3A, %dma_wait3A_46] : memref<32x32x16xi32, #tpu.memory_space<hbm>> -> memref<1x32x16xi32, #tpu.memory_space<hbm>>
      %dma_wait3A_48 = tpu.memref_squeeze %dma_wait3A_47 : memref<1x32x16xi32, #tpu.memory_space<hbm>> -> memref<32x16xi32, #tpu.memory_space<hbm>>
      %dma_wait3A_49 = arith.constant 0 : i32
      %dma_wait3A_50 = arith.constant 0 : i32
      %dma_wait3A_51 = tpu.memref_slice %arg2[%add3A, %dma_wait3A_49, %dma_wait3A_50] : memref<32x32x16xi32, #tpu.memory_space<hbm>> -> memref<1x32x16xi32, #tpu.memory_space<hbm>>
      %dma_wait3A_52 = tpu.memref_squeeze %dma_wait3A_51 : memref<1x32x16xi32, #tpu.memory_space<hbm>> -> memref<32x16xi32, #tpu.memory_space<hbm>>
      tpu.wait_dma2 semaphore(%run_scoped3A : memref<!tpu.dma_semaphore, #tpu.memory_space<semaphore_mem>>) src(%dma_wait3A_52 : memref<32x16xi32, #tpu.memory_space<hbm>>) dst(%arg7 : memref<32x16xi32, #tpu.memory_space<vmem>>)
      tpu.yield
    }) : () -> ()
    "tpu.region"() ({
      %run_scoped3A = tpu.sem_alloc : memref<!tpu.dma_semaphore, #tpu.memory_space<semaphore_mem>>
      %dma_start3A = arith.constant 0 : i32
      %dma_start3A_39 = arith.constant 0 : i32
      %dma_start3A_40 = tpu.memref_slice %arg3[%add3A, %dma_start3A, %dma_start3A_39] : memref<32x32x16xi32, #tpu.memory_space<hbm>> -> memref<1x32x16xi32, #tpu.memory_space<hbm>>
      %dma_start3A_41 = tpu.memref_squeeze %dma_start3A_40 : memref<1x32x16xi32, #tpu.memory_space<hbm>> -> memref<32x16xi32, #tpu.memory_space<hbm>>
      %dma_start3A_42 = arith.constant 0 : i32
      %dma_start3A_43 = arith.constant 0 : i32
      %dma_start3A_44 = tpu.memref_slice %arg3[%add3A, %dma_start3A_42, %dma_start3A_43] : memref<32x32x16xi32, #tpu.memory_space<hbm>> -> memref<1x32x16xi32, #tpu.memory_space<hbm>>
      %dma_start3A_45 = tpu.memref_squeeze %dma_start3A_44 : memref<1x32x16xi32, #tpu.memory_space<hbm>> -> memref<32x16xi32, #tpu.memory_space<hbm>>
      tpu.enqueue_dma source(%dma_start3A_45 : memref<32x16xi32, #tpu.memory_space<hbm>>) target(%arg8 : memref<32x16xi32, #tpu.memory_space<vmem>>) target_semaphore(%run_scoped3A : memref<!tpu.dma_semaphore, #tpu.memory_space<semaphore_mem>>)
      %dma_wait3A = arith.constant 0 : i32
      %dma_wait3A_46 = arith.constant 0 : i32
      %dma_wait3A_47 = tpu.memref_slice %arg3[%add3A, %dma_wait3A, %dma_wait3A_46] : memref<32x32x16xi32, #tpu.memory_space<hbm>> -> memref<1x32x16xi32, #tpu.memory_space<hbm>>
      %dma_wait3A_48 = tpu.memref_squeeze %dma_wait3A_47 : memref<1x32x16xi32, #tpu.memory_space<hbm>> -> memref<32x16xi32, #tpu.memory_space<hbm>>
      %dma_wait3A_49 = arith.constant 0 : i32
      %dma_wait3A_50 = arith.constant 0 : i32
      %dma_wait3A_51 = tpu.memref_slice %arg3[%add3A, %dma_wait3A_49, %dma_wait3A_50] : memref<32x32x16xi32, #tpu.memory_space<hbm>> -> memref<1x32x16xi32, #tpu.memory_space<hbm>>
      %dma_wait3A_52 = tpu.memref_squeeze %dma_wait3A_51 : memref<1x32x16xi32, #tpu.memory_space<hbm>> -> memref<32x16xi32, #tpu.memory_space<hbm>>
      tpu.wait_dma2 semaphore(%run_scoped3A : memref<!tpu.dma_semaphore, #tpu.memory_space<semaphore_mem>>) src(%dma_wait3A_52 : memref<32x16xi32, #tpu.memory_space<hbm>>) dst(%arg8 : memref<32x16xi32, #tpu.memory_space<vmem>>)
      tpu.yield
    }) : () -> ()
    %iota3A = tpu.iota {dimensions = array<i32: 0>} : vector<16xi32>
    %broadcast_in_dim3A = arith.constant 0 : i32
    %broadcast_in_dim3A_1 = vector.broadcast %broadcast_in_dim3A : i32 to vector<16xi32>
    %broadcast_in_dim3A_2 = arith.constant 1 : i32
    %broadcast_in_dim3A_3 = vector.broadcast %broadcast_in_dim3A_2 : i32 to vector<16xi32>
    %broadcast_in_dim3A_4 = arith.constant 2 : i32
    %broadcast_in_dim3A_5 = vector.broadcast %broadcast_in_dim3A_4 : i32 to vector<16xi32>
    %broadcast_in_dim3A_6 = arith.constant 3 : i32
    %broadcast_in_dim3A_7 = vector.broadcast %broadcast_in_dim3A_6 : i32 to vector<16xi32>
    %broadcast_in_dim3A_8 = arith.constant 4 : i32
    %broadcast_in_dim3A_9 = vector.broadcast %broadcast_in_dim3A_8 : i32 to vector<16xi32>
    %broadcast_in_dim3A_10 = arith.constant 5 : i32
    %broadcast_in_dim3A_11 = vector.broadcast %broadcast_in_dim3A_10 : i32 to vector<16xi32>
    %broadcast_in_dim3A_12 = arith.constant 6 : i32
    %broadcast_in_dim3A_13 = vector.broadcast %broadcast_in_dim3A_12 : i32 to vector<16xi32>
    %broadcast_in_dim3A_14 = arith.constant 7 : i32
    %broadcast_in_dim3A_15 = vector.broadcast %broadcast_in_dim3A_14 : i32 to vector<16xi32>
    %broadcast_in_dim3A_16 = arith.constant 8 : i32
    %broadcast_in_dim3A_17 = vector.broadcast %broadcast_in_dim3A_16 : i32 to vector<16xi32>
    %broadcast_in_dim3A_18 = arith.constant 9 : i32
    %broadcast_in_dim3A_19 = vector.broadcast %broadcast_in_dim3A_18 : i32 to vector<16xi32>
    %broadcast_in_dim3A_20 = arith.constant 10 : i32
    %broadcast_in_dim3A_21 = vector.broadcast %broadcast_in_dim3A_20 : i32 to vector<16xi32>
    %broadcast_in_dim3A_22 = arith.constant 11 : i32
    %broadcast_in_dim3A_23 = vector.broadcast %broadcast_in_dim3A_22 : i32 to vector<16xi32>
    %broadcast_in_dim3A_24 = arith.constant 12 : i32
    %broadcast_in_dim3A_25 = vector.broadcast %broadcast_in_dim3A_24 : i32 to vector<16xi32>
    %broadcast_in_dim3A_26 = arith.constant 13 : i32
    %broadcast_in_dim3A_27 = vector.broadcast %broadcast_in_dim3A_26 : i32 to vector<16xi32>
    %broadcast_in_dim3A_28 = arith.constant 14 : i32
    %broadcast_in_dim3A_29 = vector.broadcast %broadcast_in_dim3A_28 : i32 to vector<16xi32>
    %broadcast_in_dim3A_30 = arith.constant 15 : i32
    %broadcast_in_dim3A_31 = vector.broadcast %broadcast_in_dim3A_30 : i32 to vector<16xi32>
    %scan3A = arith.constant 0 : i32
    %scan3A_32 = arith.constant 0 : i32
    %scan3A_33 = arith.constant 32 : i32
    %scan3A_34 = arith.addi %scan3A_32, %scan3A_33 : i32
    %scan3A_35 = arith.constant 1 : i32
    scf.for %scan3A_39 = %scan3A_32 to %scan3A_34 step %scan3A_35  : i32 {
      %get3A = arith.index_cast %scan3A_39 : i32 to index
      %get3A_40 = arith.constant 0 : index
      %get3A_41 = tpu.vector_load %arg7[%get3A, %get3A_40] {strides = array<i32>} : memref<32x16xi32, #tpu.memory_space<vmem>>, vector<16xi32>,
      %get3A_42 = arith.index_cast %scan3A_39 : i32 to index
      %get3A_43 = arith.constant 0 : index
      %get3A_44 = tpu.vector_load %arg8[%get3A_42, %get3A_43] {strides = array<i32>} : memref<32x16xi32, #tpu.memory_space<vmem>>, vector<16xi32>,
      %and3A = arith.constant 127 : i32
      %and3A_45 = vector.broadcast %and3A : i32 to vector<16xi32>
      %and3A_46 = arith.andi %get3A_41, %and3A_45 : vector<16xi32>
      %and3A_47 = arith.constant 127 : i32
      %and3A_48 = vector.broadcast %and3A_47 : i32 to vector<16xi32>
      %and3A_49 = arith.andi %get3A_44, %and3A_48 : vector<16xi32>
      %shift_right_logical3A = arith.constant 7 : i32
      %shift_right_logical3A_50 = vector.broadcast %shift_right_logical3A : i32 to vector<16xi32>
      %shift_right_logical3A_51 = arith.shrui %get3A_41, %shift_right_logical3A_50 : vector<16xi32>
      %mul3A_52 = arith.constant 128 : i32
      %mul3A_53 = vector.broadcast %mul3A_52 : i32 to vector<16xi32>
      %mul3A_54 = arith.muli %shift_right_logical3A_51, %mul3A_53 : vector<16xi32>
      %shift_right_logical3A_55 = arith.constant 7 : i32
      %shift_right_logical3A_56 = vector.broadcast %shift_right_logical3A_55 : i32 to vector<16xi32>
      %shift_right_logical3A_57 = arith.shrui %get3A_44, %shift_right_logical3A_56 : vector<16xi32>
      %mul3A_58 = arith.constant 128 : i32
      %mul3A_59 = vector.broadcast %mul3A_58 : i32 to vector<16xi32>
      %mul3A_60 = arith.muli %shift_right_logical3A_57, %mul3A_59 : vector<16xi32>
      %slice3A = vector.extract_strided_slice %mul3A_54 {offsets = [0], sizes = [1], strides = [1]} : vector<16xi32> to vector<1xi32>
      %squeeze3A = vector.extract %slice3A[0] : i32 from vector<1xi32>
      %multiple_of3A = tpu.assume_multiple %squeeze3A, 128 : i32
      %slice3A_61 = vector.extract_strided_slice %mul3A_60 {offsets = [0], sizes = [1], strides = [1]} : vector<16xi32> to vector<1xi32>
      %squeeze3A_62 = vector.extract %slice3A_61[0] : i32 from vector<1xi32>
      %multiple_of3A_63 = tpu.assume_multiple %squeeze3A_62, 128 : i32
      %dma_start3A = arith.constant 0 : i32
      %dma_start3A_64 = arith.constant 0 : i32
      %dma_start3A_65 = arith.constant 0 : i32
      %dma_start3A_66 = tpu.memref_slice %arg9[%dma_start3A, %dma_start3A_64, %dma_start3A_65] : memref<16x16x128xf32, #tpu.memory_space<vmem>> -> memref<1x16x128xf32, #tpu.memory_space<vmem>>
      %dma_start3A_67 = tpu.memref_squeeze %dma_start3A_66 : memref<1x16x128xf32, #tpu.memory_space<vmem>> -> memref<16x128xf32, #tpu.memory_space<vmem>>
      %dma_start3A_68 = arith.constant 0 : i32
      %dma_start3A_69 = tpu.memref_slice %arg4[%dma_start3A_68, %multiple_of3A] : memref<16x1000000xf32, #tpu.memory_space<hbm>> -> memref<16x128xf32, #tpu.memory_space<hbm>>
      %dma_start3A_70 = arith.constant 0 : i32
      %dma_start3A_71 = arith.constant 0 : i32
      %dma_start3A_72 = tpu.memref_slice %arg9[%dma_start3A, %dma_start3A_70, %dma_start3A_71] : memref<16x16x128xf32, #tpu.memory_space<vmem>> -> memref<1x16x128xf32, #tpu.memory_space<vmem>>
      %dma_start3A_73 = tpu.memref_squeeze %dma_start3A_72 : memref<1x16x128xf32, #tpu.memory_space<vmem>> -> memref<16x128xf32, #tpu.memory_space<vmem>>
      %dma_start3A_74 = arith.constant 0 : i32
      %dma_start3A_75 = tpu.memref_slice %arg4[%dma_start3A_74, %multiple_of3A] : memref<16x1000000xf32, #tpu.memory_space<hbm>> -> memref<16x128xf32, #tpu.memory_space<hbm>>
      tpu.enqueue_dma source(%dma_start3A_75 : memref<16x128xf32, #tpu.memory_space<hbm>>) target(%dma_start3A_73 : memref<16x128xf32, #tpu.memory_space<vmem>>) target_semaphore(%arg12 : memref<!tpu.dma_semaphore, #tpu.memory_space<semaphore_mem>>)
      %dma_start3A_76 = arith.constant 0 : i32
      %dma_start3A_77 = arith.constant 0 : i32
      %dma_start3A_78 = arith.constant 0 : i32
      %dma_start3A_79 = tpu.memref_slice %arg10[%dma_start3A_76, %dma_start3A_77, %dma_start3A_78] : memref<16x16x128xf32, #tpu.memory_space<vmem>> -> memref<1x16x128xf32, #tpu.memory_space<vmem>>
      %dma_start3A_80 = tpu.memref_squeeze %dma_start3A_79 : memref<1x16x128xf32, #tpu.memory_space<vmem>> -> memref<16x128xf32, #tpu.memory_space<vmem>>
      %dma_start3A_81 = arith.constant 0 : i32
      %dma_start3A_82 = tpu.memref_slice %arg5[%dma_start3A_81, %multiple_of3A_63] : memref<16x1000000xf32, #tpu.memory_space<hbm>> -> memref<16x128xf32, #tpu.memory_space<hbm>>
      %dma_start3A_83 = arith.constant 0 : i32
      %dma_start3A_84 = arith.constant 0 : i32
      %dma_start3A_85 = tpu.memref_slice %arg10[%dma_start3A_76, %dma_start3A_83, %dma_start3A_84] : memref<16x16x128xf32, #tpu.memory_space<vmem>> -> memref<1x16x128xf32, #tpu.memory_space<vmem>>
      %dma_start3A_86 = tpu.memref_squeeze %dma_start3A_85 : memref<1x16x128xf32, #tpu.memory_space<vmem>> -> memref<16x128xf32, #tpu.memory_space<vmem>>
      %dma_start3A_87 = arith.constant 0 : i32
      %dma_start3A_88 = tpu.memref_slice %arg5[%dma_start3A_87, %multiple_of3A_63] : memref<16x1000000xf32, #tpu.memory_space<hbm>> -> memref<16x128xf32, #tpu.memory_space<hbm>>
      tpu.enqueue_dma source(%dma_start3A_88 : memref<16x128xf32, #tpu.memory_space<hbm>>) target(%dma_start3A_86 : memref<16x128xf32, #tpu.memory_space<vmem>>) target_semaphore(%arg12 : memref<!tpu.dma_semaphore, #tpu.memory_space<semaphore_mem>>)
      %slice3A_89 = vector.extract_strided_slice %mul3A_54 {offsets = [1], sizes = [1], strides = [1]} : vector<16xi32> to vector<1xi32>
      %squeeze3A_90 = vector.extract %slice3A_89[0] : i32 from vector<1xi32>
      %multiple_of3A_91 = tpu.assume_multiple %squeeze3A_90, 128 : i32
      %slice3A_92 = vector.extract_strided_slice %mul3A_60 {offsets = [1], sizes = [1], strides = [1]} : vector<16xi32> to vector<1xi32>
      %squeeze3A_93 = vector.extract %slice3A_92[0] : i32 from vector<1xi32>
      %multiple_of3A_94 = tpu.assume_multiple %squeeze3A_93, 128 : i32
      %dma_start3A_95 = arith.constant 1 : i32
      %dma_start3A_96 = arith.constant 0 : i32
      %dma_start3A_97 = arith.constant 0 : i32
      %dma_start3A_98 = tpu.memref_slice %arg9[%dma_start3A_95, %dma_start3A_96, %dma_start3A_97] : memref<16x16x128xf32, #tpu.memory_space<vmem>> -> memref<1x16x128xf32, #tpu.memory_space<vmem>>
      %dma_start3A_99 = tpu.memref_squeeze %dma_start3A_98 : memref<1x16x128xf32, #tpu.memory_space<vmem>> -> memref<16x128xf32, #tpu.memory_space<vmem>>
      %dma_start3A_100 = arith.constant 0 : i32
      %dma_start3A_101 = tpu.memref_slice %arg4[%dma_start3A_100, %multiple_of3A_91] : memref<16x1000000xf32, #tpu.memory_space<hbm>> -> memref<16x128xf32, #tpu.memory_space<hbm>>
      %dma_start3A_102 = arith.constant 0 : i32
      %dma_start3A_103 = arith.constant 0 : i32
      %dma_start3A_104 = tpu.memref_slice %arg9[%dma_start3A_95, %dma_start3A_102, %dma_start3A_103] : memref<16x16x128xf32, #tpu.memory_space<vmem>> -> memref<1x16x128xf32, #tpu.memory_space<vmem>>
      %dma_start3A_105 = tpu.memref_squeeze %dma_start3A_104 : memref<1x16x128xf32, #tpu.memory_space<vmem>> -> memref<16x128xf32, #tpu.memory_space<vmem>>
      %dma_start3A_106 = arith.constant 0 : i32
      %dma_start3A_107 = tpu.memref_slice %arg4[%dma_start3A_106, %multiple_of3A_91] : memref<16x1000000xf32, #tpu.memory_space<hbm>> -> memref<16x128xf32, #tpu.memory_space<hbm>>
      tpu.enqueue_dma source(%dma_start3A_107 : memref<16x128xf32, #tpu.memory_space<hbm>>) target(%dma_start3A_105 : memref<16x128xf32, #tpu.memory_space<vmem>>) target_semaphore(%arg12 : memref<!tpu.dma_semaphore, #tpu.memory_space<semaphore_mem>>)
      %dma_start3A_108 = arith.constant 1 : i32
      %dma_start3A_109 = arith.constant 0 : i32
      %dma_start3A_110 = arith.constant 0 : i32
      %dma_start3A_111 = tpu.memref_slice %arg10[%dma_start3A_108, %dma_start3A_109, %dma_start3A_110] : memref<16x16x128xf32, #tpu.memory_space<vmem>> -> memref<1x16x128xf32, #tpu.memory_space<vmem>>
      %dma_start3A_112 = tpu.memref_squeeze %dma_start3A_111 : memref<1x16x128xf32, #tpu.memory_space<vmem>> -> memref<16x128xf32, #tpu.memory_space<vmem>>
      %dma_start3A_113 = arith.constant 0 : i32
      %dma_start3A_114 = tpu.memref_slice %arg5[%dma_start3A_113, %multiple_of3A_94] : memref<16x1000000xf32, #tpu.memory_space<hbm>> -> memref<16x128xf32, #tpu.memory_space<hbm>>
      %dma_start3A_115 = arith.constant 0 : i32
      %dma_start3A_116 = arith.constant 0 : i32
      %dma_start3A_117 = tpu.memref_slice %arg10[%dma_start3A_108, %dma_start3A_115, %dma_start3A_116] : memref<16x16x128xf32, #tpu.memory_space<vmem>> -> memref<1x16x128xf32, #tpu.memory_space<vmem>>
      %dma_start3A_118 = tpu.memref_squeeze %dma_start3A_117 : memref<1x16x128xf32, #tpu.memory_space<vmem>> -> memref<16x128xf32, #tpu.memory_space<vmem>>
      %dma_start3A_119 = arith.constant 0 : i32
      %dma_start3A_120 = tpu.memref_slice %arg5[%dma_start3A_119, %multiple_of3A_94] : memref<16x1000000xf32, #tpu.memory_space<hbm>> -> memref<16x128xf32, #tpu.memory_space<hbm>>
      tpu.enqueue_dma source(%dma_start3A_120 : memref<16x128xf32, #tpu.memory_space<hbm>>) target(%dma_start3A_118 : memref<16x128xf32, #tpu.memory_space<vmem>>) target_semaphore(%arg12 : memref<!tpu.dma_semaphore, #tpu.memory_space<semaphore_mem>>)
      %slice3A_121 = vector.extract_strided_slice %mul3A_54 {offsets = [2], sizes = [1], strides = [1]} : vector<16xi32> to vector<1xi32>
      %squeeze3A_122 = vector.extract %slice3A_121[0] : i32 from vector<1xi32>
      %multiple_of3A_123 = tpu.assume_multiple %squeeze3A_122, 128 : i32
      %slice3A_124 = vector.extract_strided_slice %mul3A_60 {offsets = [2], sizes = [1], strides = [1]} : vector<16xi32> to vector<1xi32>
      %squeeze3A_125 = vector.extract %slice3A_124[0] : i32 from vector<1xi32>
      %multiple_of3A_126 = tpu.assume_multiple %squeeze3A_125, 128 : i32
      %dma_start3A_127 = arith.constant 2 : i32
      %dma_start3A_128 = arith.constant 0 : i32
      %dma_start3A_129 = arith.constant 0 : i32
      %dma_start3A_130 = tpu.memref_slice %arg9[%dma_start3A_127, %dma_start3A_128, %dma_start3A_129] : memref<16x16x128xf32, #tpu.memory_space<vmem>> -> memref<1x16x128xf32, #tpu.memory_space<vmem>>
      %dma_start3A_131 = tpu.memref_squeeze %dma_start3A_130 : memref<1x16x128xf32, #tpu.memory_space<vmem>> -> memref<16x128xf32, #tpu.memory_space<vmem>>
      %dma_start3A_132 = arith.constant 0 : i32
      %dma_start3A_133 = tpu.memref_slice %arg4[%dma_start3A_132, %multiple_of3A_123] : memref<16x1000000xf32, #tpu.memory_space<hbm>> -> memref<16x128xf32, #tpu.memory_space<hbm>>
      %dma_start3A_134 = arith.constant 0 : i32
      %dma_start3A_135 = arith.constant 0 : i32
      %dma_start3A_136 = tpu.memref_slice %arg9[%dma_start3A_127, %dma_start3A_134, %dma_start3A_135] : memref<16x16x128xf32, #tpu.memory_space<vmem>> -> memref<1x16x128xf32, #tpu.memory_space<vmem>>
      %dma_start3A_137 = tpu.memref_squeeze %dma_start3A_136 : memref<1x16x128xf32, #tpu.memory_space<vmem>> -> memref<16x128xf32, #tpu.memory_space<vmem>>
      %dma_start3A_138 = arith.constant 0 : i32
      %dma_start3A_139 = tpu.memref_slice %arg4[%dma_start3A_138, %multiple_of3A_123] : memref<16x1000000xf32, #tpu.memory_space<hbm>> -> memref<16x128xf32, #tpu.memory_space<hbm>>
      tpu.enqueue_dma source(%dma_start3A_139 : memref<16x128xf32, #tpu.memory_space<hbm>>) target(%dma_start3A_137 : memref<16x128xf32, #tpu.memory_space<vmem>>) target_semaphore(%arg12 : memref<!tpu.dma_semaphore, #tpu.memory_space<semaphore_mem>>)
      %dma_start3A_140 = arith.constant 2 : i32
      %dma_start3A_141 = arith.constant 0 : i32
      %dma_start3A_142 = arith.constant 0 : i32
      %dma_start3A_143 = tpu.memref_slice %arg10[%dma_start3A_140, %dma_start3A_141, %dma_start3A_142] : memref<16x16x128xf32, #tpu.memory_space<vmem>> -> memref<1x16x128xf32, #tpu.memory_space<vmem>>
      %dma_start3A_144 = tpu.memref_squeeze %dma_start3A_143 : memref<1x16x128xf32, #tpu.memory_space<vmem>> -> memref<16x128xf32, #tpu.memory_space<vmem>>
      %dma_start3A_145 = arith.constant 0 : i32
      %dma_start3A_146 = tpu.memref_slice %arg5[%dma_start3A_145, %multiple_of3A_126] : memref<16x1000000xf32, #tpu.memory_space<hbm>> -> memref<16x128xf32, #tpu.memory_space<hbm>>
      %dma_start3A_147 = arith.constant 0 : i32
      %dma_start3A_148 = arith.constant 0 : i32
      %dma_start3A_149 = tpu.memref_slice %arg10[%dma_start3A_140, %dma_start3A_147, %dma_start3A_148] : memref<16x16x128xf32, #tpu.memory_space<vmem>> -> memref<1x16x128xf32, #tpu.memory_space<vmem>>
      %dma_start3A_150 = tpu.memref_squeeze %dma_start3A_149 : memref<1x16x128xf32, #tpu.memory_space<vmem>> -> memref<16x128xf32, #tpu.memory_space<vmem>>
      %dma_start3A_151 = arith.constant 0 : i32
      %dma_start3A_152 = tpu.memref_slice %arg5[%dma_start3A_151, %multiple_of3A_126] : memref<16x1000000xf32, #tpu.memory_space<hbm>> -> memref<16x128xf32, #tpu.memory_space<hbm>>
      tpu.enqueue_dma source(%dma_start3A_152 : memref<16x128xf32, #tpu.memory_space<hbm>>) target(%dma_start3A_150 : memref<16x128xf32, #tpu.memory_space<vmem>>) target_semaphore(%arg12 : memref<!tpu.dma_semaphore, #tpu.memory_space<semaphore_mem>>)
      %slice3A_153 = vector.extract_strided_slice %mul3A_54 {offsets = [3], sizes = [1], strides = [1]} : vector<16xi32> to vector<1xi32>
      %squeeze3A_154 = vector.extract %slice3A_153[0] : i32 from vector<1xi32>
      %multiple_of3A_155 = tpu.assume_multiple %squeeze3A_154, 128 : i32
      %slice3A_156 = vector.extract_strided_slice %mul3A_60 {offsets = [3], sizes = [1], strides = [1]} : vector<16xi32> to vector<1xi32>
      %squeeze3A_157 = vector.extract %slice3A_156[0] : i32 from vector<1xi32>
      %multiple_of3A_158 = tpu.assume_multiple %squeeze3A_157, 128 : i32
      %dma_start3A_159 = arith.constant 3 : i32
      %dma_start3A_160 = arith.constant 0 : i32
      %dma_start3A_161 = arith.constant 0 : i32
      %dma_start3A_162 = tpu.memref_slice %arg9[%dma_start3A_159, %dma_start3A_160, %dma_start3A_161] : memref<16x16x128xf32, #tpu.memory_space<vmem>> -> memref<1x16x128xf32, #tpu.memory_space<vmem>>
      %dma_start3A_163 = tpu.memref_squeeze %dma_start3A_162 : memref<1x16x128xf32, #tpu.memory_space<vmem>> -> memref<16x128xf32, #tpu.memory_space<vmem>>
      %dma_start3A_164 = arith.constant 0 : i32
      %dma_start3A_165 = tpu.memref_slice %arg4[%dma_start3A_164, %multiple_of3A_155] : memref<16x1000000xf32, #tpu.memory_space<hbm>> -> memref<16x128xf32, #tpu.memory_space<hbm>>
      %dma_start3A_166 = arith.constant 0 : i32
      %dma_start3A_167 = arith.constant 0 : i32
      %dma_start3A_168 = tpu.memref_slice %arg9[%dma_start3A_159, %dma_start3A_166, %dma_start3A_167] : memref<16x16x128xf32, #tpu.memory_space<vmem>> -> memref<1x16x128xf32, #tpu.memory_space<vmem>>
      %dma_start3A_169 = tpu.memref_squeeze %dma_start3A_168 : memref<1x16x128xf32, #tpu.memory_space<vmem>> -> memref<16x128xf32, #tpu.memory_space<vmem>>
      %dma_start3A_170 = arith.constant 0 : i32
      %dma_start3A_171 = tpu.memref_slice %arg4[%dma_start3A_170, %multiple_of3A_155] : memref<16x1000000xf32, #tpu.memory_space<hbm>> -> memref<16x128xf32, #tpu.memory_space<hbm>>
      tpu.enqueue_dma source(%dma_start3A_171 : memref<16x128xf32, #tpu.memory_space<hbm>>) target(%dma_start3A_169 : memref<16x128xf32, #tpu.memory_space<vmem>>) target_semaphore(%arg12 : memref<!tpu.dma_semaphore, #tpu.memory_space<semaphore_mem>>)
      %dma_start3A_172 = arith.constant 3 : i32
      %dma_start3A_173 = arith.constant 0 : i32
      %dma_start3A_174 = arith.constant 0 : i32
      %dma_start3A_175 = tpu.memref_slice %arg10[%dma_start3A_172, %dma_start3A_173, %dma_start3A_174] : memref<16x16x128xf32, #tpu.memory_space<vmem>> -> memref<1x16x128xf32, #tpu.memory_space<vmem>>
      %dma_start3A_176 = tpu.memref_squeeze %dma_start3A_175 : memref<1x16x128xf32, #tpu.memory_space<vmem>> -> memref<16x128xf32, #tpu.memory_space<vmem>>
      %dma_start3A_177 = arith.constant 0 : i32
      %dma_start3A_178 = tpu.memref_slice %arg5[%dma_start3A_177, %multiple_of3A_158] : memref<16x1000000xf32, #tpu.memory_space<hbm>> -> memref<16x128xf32, #tpu.memory_space<hbm>>
      %dma_start3A_179 = arith.constant 0 : i32
      %dma_start3A_180 = arith.constant 0 : i32
      %dma_start3A_181 = tpu.memref_slice %arg10[%dma_start3A_172, %dma_start3A_179, %dma_start3A_180] : memref<16x16x128xf32, #tpu.memory_space<vmem>> -> memref<1x16x128xf32, #tpu.memory_space<vmem>>
      %dma_start3A_182 = tpu.memref_squeeze %dma_start3A_181 : memref<1x16x128xf32, #tpu.memory_space<vmem>> -> memref<16x128xf32, #tpu.memory_space<vmem>>
      %dma_start3A_183 = arith.constant 0 : i32
      %dma_start3A_184 = tpu.memref_slice %arg5[%dma_start3A_183, %multiple_of3A_158] : memref<16x1000000xf32, #tpu.memory_space<hbm>> -> memref<16x128xf32, #tpu.memory_space<hbm>>
      tpu.enqueue_dma source(%dma_start3A_184 : memref<16x128xf32, #tpu.memory_space<hbm>>) target(%dma_start3A_182 : memref<16x128xf32, #tpu.memory_space<vmem>>) target_semaphore(%arg12 : memref<!tpu.dma_semaphore, #tpu.memory_space<semaphore_mem>>)
      %slice3A_185 = vector.extract_strided_slice %mul3A_54 {offsets = [4], sizes = [1], strides = [1]} : vector<16xi32> to vector<1xi32>
      %squeeze3A_186 = vector.extract %slice3A_185[0] : i32 from vector<1xi32>
      %multiple_of3A_187 = tpu.assume_multiple %squeeze3A_186, 128 : i32
      %slice3A_188 = vector.extract_strided_slice %mul3A_60 {offsets = [4], sizes = [1], strides = [1]} : vector<16xi32> to vector<1xi32>
      %squeeze3A_189 = vector.extract %slice3A_188[0] : i32 from vector<1xi32>
      %multiple_of3A_190 = tpu.assume_multiple %squeeze3A_189, 128 : i32
      %dma_start3A_191 = arith.constant 4 : i32
      %dma_start3A_192 = arith.constant 0 : i32
      %dma_start3A_193 = arith.constant 0 : i32
      %dma_start3A_194 = tpu.memref_slice %arg9[%dma_start3A_191, %dma_start3A_192, %dma_start3A_193] : memref<16x16x128xf32, #tpu.memory_space<vmem>> -> memref<1x16x128xf32, #tpu.memory_space<vmem>>
      %dma_start3A_195 = tpu.memref_squeeze %dma_start3A_194 : memref<1x16x128xf32, #tpu.memory_space<vmem>> -> memref<16x128xf32, #tpu.memory_space<vmem>>
      %dma_start3A_196 = arith.constant 0 : i32
      %dma_start3A_197 = tpu.memref_slice %arg4[%dma_start3A_196, %multiple_of3A_187] : memref<16x1000000xf32, #tpu.memory_space<hbm>> -> memref<16x128xf32, #tpu.memory_space<hbm>>
      %dma_start3A_198 = arith.constant 0 : i32
      %dma_start3A_199 = arith.constant 0 : i32
      %dma_start3A_200 = tpu.memref_slice %arg9[%dma_start3A_191, %dma_start3A_198, %dma_start3A_199] : memref<16x16x128xf32, #tpu.memory_space<vmem>> -> memref<1x16x128xf32, #tpu.memory_space<vmem>>
      %dma_start3A_201 = tpu.memref_squeeze %dma_start3A_200 : memref<1x16x128xf32, #tpu.memory_space<vmem>> -> memref<16x128xf32, #tpu.memory_space<vmem>>
      %dma_start3A_202 = arith.constant 0 : i32
      %dma_start3A_203 = tpu.memref_slice %arg4[%dma_start3A_202, %multiple_of3A_187] : memref<16x1000000xf32, #tpu.memory_space<hbm>> -> memref<16x128xf32, #tpu.memory_space<hbm>>
      tpu.enqueue_dma source(%dma_start3A_203 : memref<16x128xf32, #tpu.memory_space<hbm>>) target(%dma_start3A_201 : memref<16x128xf32, #tpu.memory_space<vmem>>) target_semaphore(%arg12 : memref<!tpu.dma_semaphore, #tpu.memory_space<semaphore_mem>>)
      %dma_start3A_204 = arith.constant 4 : i32
      %dma_start3A_205 = arith.constant 0 : i32
      %dma_start3A_206 = arith.constant 0 : i32
      %dma_start3A_207 = tpu.memref_slice %arg10[%dma_start3A_204, %dma_start3A_205, %dma_start3A_206] : memref<16x16x128xf32, #tpu.memory_space<vmem>> -> memref<1x16x128xf32, #tpu.memory_space<vmem>>
      %dma_start3A_208 = tpu.memref_squeeze %dma_start3A_207 : memref<1x16x128xf32, #tpu.memory_space<vmem>> -> memref<16x128xf32, #tpu.memory_space<vmem>>
      %dma_start3A_209 = arith.constant 0 : i32
      %dma_start3A_210 = tpu.memref_slice %arg5[%dma_start3A_209, %multiple_of3A_190] : memref<16x1000000xf32, #tpu.memory_space<hbm>> -> memref<16x128xf32, #tpu.memory_space<hbm>>
      %dma_start3A_211 = arith.constant 0 : i32
      %dma_start3A_212 = arith.constant 0 : i32
      %dma_start3A_213 = tpu.memref_slice %arg10[%dma_start3A_204, %dma_start3A_211, %dma_start3A_212] : memref<16x16x128xf32, #tpu.memory_space<vmem>> -> memref<1x16x128xf32, #tpu.memory_space<vmem>>
      %dma_start3A_214 = tpu.memref_squeeze %dma_start3A_213 : memref<1x16x128xf32, #tpu.memory_space<vmem>> -> memref<16x128xf32, #tpu.memory_space<vmem>>
      %dma_start3A_215 = arith.constant 0 : i32
      %dma_start3A_216 = tpu.memref_slice %arg5[%dma_start3A_215, %multiple_of3A_190] : memref<16x1000000xf32, #tpu.memory_space<hbm>> -> memref<16x128xf32, #tpu.memory_space<hbm>>
      tpu.enqueue_dma source(%dma_start3A_216 : memref<16x128xf32, #tpu.memory_space<hbm>>) target(%dma_start3A_214 : memref<16x128xf32, #tpu.memory_space<vmem>>) target_semaphore(%arg12 : memref<!tpu.dma_semaphore, #tpu.memory_space<semaphore_mem>>)
      %slice3A_217 = vector.extract_strided_slice %mul3A_54 {offsets = [5], sizes = [1], strides = [1]} : vector<16xi32> to vector<1xi32>
      %squeeze3A_218 = vector.extract %slice3A_217[0] : i32 from vector<1xi32>
      %multiple_of3A_219 = tpu.assume_multiple %squeeze3A_218, 128 : i32
      %slice3A_220 = vector.extract_strided_slice %mul3A_60 {offsets = [5], sizes = [1], strides = [1]} : vector<16xi32> to vector<1xi32>
      %squeeze3A_221 = vector.extract %slice3A_220[0] : i32 from vector<1xi32>
      %multiple_of3A_222 = tpu.assume_multiple %squeeze3A_221, 128 : i32
      %dma_start3A_223 = arith.constant 5 : i32
      %dma_start3A_224 = arith.constant 0 : i32
      %dma_start3A_225 = arith.constant 0 : i32
      %dma_start3A_226 = tpu.memref_slice %arg9[%dma_start3A_223, %dma_start3A_224, %dma_start3A_225] : memref<16x16x128xf32, #tpu.memory_space<vmem>> -> memref<1x16x128xf32, #tpu.memory_space<vmem>>
      %dma_start3A_227 = tpu.memref_squeeze %dma_start3A_226 : memref<1x16x128xf32, #tpu.memory_space<vmem>> -> memref<16x128xf32, #tpu.memory_space<vmem>>
      %dma_start3A_228 = arith.constant 0 : i32
      %dma_start3A_229 = tpu.memref_slice %arg4[%dma_start3A_228, %multiple_of3A_219] : memref<16x1000000xf32, #tpu.memory_space<hbm>> -> memref<16x128xf32, #tpu.memory_space<hbm>>
      %dma_start3A_230 = arith.constant 0 : i32
      %dma_start3A_231 = arith.constant 0 : i32
      %dma_start3A_232 = tpu.memref_slice %arg9[%dma_start3A_223, %dma_start3A_230, %dma_start3A_231] : memref<16x16x128xf32, #tpu.memory_space<vmem>> -> memref<1x16x128xf32, #tpu.memory_space<vmem>>
      %dma_start3A_233 = tpu.memref_squeeze %dma_start3A_232 : memref<1x16x128xf32, #tpu.memory_space<vmem>> -> memref<16x128xf32, #tpu.memory_space<vmem>>
      %dma_start3A_234 = arith.constant 0 : i32
      %dma_start3A_235 = tpu.memref_slice %arg4[%dma_start3A_234, %multiple_of3A_219] : memref<16x1000000xf32, #tpu.memory_space<hbm>> -> memref<16x128xf32, #tpu.memory_space<hbm>>
      tpu.enqueue_dma source(%dma_start3A_235 : memref<16x128xf32, #tpu.memory_space<hbm>>) target(%dma_start3A_233 : memref<16x128xf32, #tpu.memory_space<vmem>>) target_semaphore(%arg12 : memref<!tpu.dma_semaphore, #tpu.memory_space<semaphore_mem>>)
      %dma_start3A_236 = arith.constant 5 : i32
      %dma_start3A_237 = arith.constant 0 : i32
      %dma_start3A_238 = arith.constant 0 : i32
      %dma_start3A_239 = tpu.memref_slice %arg10[%dma_start3A_236, %dma_start3A_237, %dma_start3A_238] : memref<16x16x128xf32, #tpu.memory_space<vmem>> -> memref<1x16x128xf32, #tpu.memory_space<vmem>>
      %dma_start3A_240 = tpu.memref_squeeze %dma_start3A_239 : memref<1x16x128xf32, #tpu.memory_space<vmem>> -> memref<16x128xf32, #tpu.memory_space<vmem>>
      %dma_start3A_241 = arith.constant 0 : i32
      %dma_start3A_242 = tpu.memref_slice %arg5[%dma_start3A_241, %multiple_of3A_222] : memref<16x1000000xf32, #tpu.memory_space<hbm>> -> memref<16x128xf32, #tpu.memory_space<hbm>>
      %dma_start3A_243 = arith.constant 0 : i32
      %dma_start3A_244 = arith.constant 0 : i32
      %dma_start3A_245 = tpu.memref_slice %arg10[%dma_start3A_236, %dma_start3A_243, %dma_start3A_244] : memref<16x16x128xf32, #tpu.memory_space<vmem>> -> memref<1x16x128xf32, #tpu.memory_space<vmem>>
      %dma_start3A_246 = tpu.memref_squeeze %dma_start3A_245 : memref<1x16x128xf32, #tpu.memory_space<vmem>> -> memref<16x128xf32, #tpu.memory_space<vmem>>
      %dma_start3A_247 = arith.constant 0 : i32
      %dma_start3A_248 = tpu.memref_slice %arg5[%dma_start3A_247, %multiple_of3A_222] : memref<16x1000000xf32, #tpu.memory_space<hbm>> -> memref<16x128xf32, #tpu.memory_space<hbm>>
      tpu.enqueue_dma source(%dma_start3A_248 : memref<16x128xf32, #tpu.memory_space<hbm>>) target(%dma_start3A_246 : memref<16x128xf32, #tpu.memory_space<vmem>>) target_semaphore(%arg12 : memref<!tpu.dma_semaphore, #tpu.memory_space<semaphore_mem>>)
      %slice3A_249 = vector.extract_strided_slice %mul3A_54 {offsets = [6], sizes = [1], strides = [1]} : vector<16xi32> to vector<1xi32>
      %squeeze3A_250 = vector.extract %slice3A_249[0] : i32 from vector<1xi32>
      %multiple_of3A_251 = tpu.assume_multiple %squeeze3A_250, 128 : i32
      %slice3A_252 = vector.extract_strided_slice %mul3A_60 {offsets = [6], sizes = [1], strides = [1]} : vector<16xi32> to vector<1xi32>
      %squeeze3A_253 = vector.extract %slice3A_252[0] : i32 from vector<1xi32>
      %multiple_of3A_254 = tpu.assume_multiple %squeeze3A_253, 128 : i32
      %dma_start3A_255 = arith.constant 6 : i32
      %dma_start3A_256 = arith.constant 0 : i32
      %dma_start3A_257 = arith.constant 0 : i32
      %dma_start3A_258 = tpu.memref_slice %arg9[%dma_start3A_255, %dma_start3A_256, %dma_start3A_257] : memref<16x16x128xf32, #tpu.memory_space<vmem>> -> memref<1x16x128xf32, #tpu.memory_space<vmem>>
      %dma_start3A_259 = tpu.memref_squeeze %dma_start3A_258 : memref<1x16x128xf32, #tpu.memory_space<vmem>> -> memref<16x128xf32, #tpu.memory_space<vmem>>
      %dma_start3A_260 = arith.constant 0 : i32
      %dma_start3A_261 = tpu.memref_slice %arg4[%dma_start3A_260, %multiple_of3A_251] : memref<16x1000000xf32, #tpu.memory_space<hbm>> -> memref<16x128xf32, #tpu.memory_space<hbm>>
      %dma_start3A_262 = arith.constant 0 : i32
      %dma_start3A_263 = arith.constant 0 : i32
      %dma_start3A_264 = tpu.memref_slice %arg9[%dma_start3A_255, %dma_start3A_262, %dma_start3A_263] : memref<16x16x128xf32, #tpu.memory_space<vmem>> -> memref<1x16x128xf32, #tpu.memory_space<vmem>>
      %dma_start3A_265 = tpu.memref_squeeze %dma_start3A_264 : memref<1x16x128xf32, #tpu.memory_space<vmem>> -> memref<16x128xf32, #tpu.memory_space<vmem>>
      %dma_start3A_266 = arith.constant 0 : i32
      %dma_start3A_267 = tpu.memref_slice %arg4[%dma_start3A_266, %multiple_of3A_251] : memref<16x1000000xf32, #tpu.memory_space<hbm>> -> memref<16x128xf32, #tpu.memory_space<hbm>>
      tpu.enqueue_dma source(%dma_start3A_267 : memref<16x128xf32, #tpu.memory_space<hbm>>) target(%dma_start3A_265 : memref<16x128xf32, #tpu.memory_space<vmem>>) target_semaphore(%arg12 : memref<!tpu.dma_semaphore, #tpu.memory_space<semaphore_mem>>)
      %dma_start3A_268 = arith.constant 6 : i32
      %dma_start3A_269 = arith.constant 0 : i32
      %dma_start3A_270 = arith.constant 0 : i32
      %dma_start3A_271 = tpu.memref_slice %arg10[%dma_start3A_268, %dma_start3A_269, %dma_start3A_270] : memref<16x16x128xf32, #tpu.memory_space<vmem>> -> memref<1x16x128xf32, #tpu.memory_space<vmem>>
      %dma_start3A_272 = tpu.memref_squeeze %dma_start3A_271 : memref<1x16x128xf32, #tpu.memory_space<vmem>> -> memref<16x128xf32, #tpu.memory_space<vmem>>
      %dma_start3A_273 = arith.constant 0 : i32
      %dma_start3A_274 = tpu.memref_slice %arg5[%dma_start3A_273, %multiple_of3A_254] : memref<16x1000000xf32, #tpu.memory_space<hbm>> -> memref<16x128xf32, #tpu.memory_space<hbm>>
      %dma_start3A_275 = arith.constant 0 : i32
      %dma_start3A_276 = arith.constant 0 : i32
      %dma_start3A_277 = tpu.memref_slice %arg10[%dma_start3A_268, %dma_start3A_275, %dma_start3A_276] : memref<16x16x128xf32, #tpu.memory_space<vmem>> -> memref<1x16x128xf32, #tpu.memory_space<vmem>>
      %dma_start3A_278 = tpu.memref_squeeze %dma_start3A_277 : memref<1x16x128xf32, #tpu.memory_space<vmem>> -> memref<16x128xf32, #tpu.memory_space<vmem>>
      %dma_start3A_279 = arith.constant 0 : i32
      %dma_start3A_280 = tpu.memref_slice %arg5[%dma_start3A_279, %multiple_of3A_254] : memref<16x1000000xf32, #tpu.memory_space<hbm>> -> memref<16x128xf32, #tpu.memory_space<hbm>>
      tpu.enqueue_dma source(%dma_start3A_280 : memref<16x128xf32, #tpu.memory_space<hbm>>) target(%dma_start3A_278 : memref<16x128xf32, #tpu.memory_space<vmem>>) target_semaphore(%arg12 : memref<!tpu.dma_semaphore, #tpu.memory_space<semaphore_mem>>)
      %slice3A_281 = vector.extract_strided_slice %mul3A_54 {offsets = [7], sizes = [1], strides = [1]} : vector<16xi32> to vector<1xi32>
      %squeeze3A_282 = vector.extract %slice3A_281[0] : i32 from vector<1xi32>
      %multiple_of3A_283 = tpu.assume_multiple %squeeze3A_282, 128 : i32
      %slice3A_284 = vector.extract_strided_slice %mul3A_60 {offsets = [7], sizes = [1], strides = [1]} : vector<16xi32> to vector<1xi32>
      %squeeze3A_285 = vector.extract %slice3A_284[0] : i32 from vector<1xi32>
      %multiple_of3A_286 = tpu.assume_multiple %squeeze3A_285, 128 : i32
      %dma_start3A_287 = arith.constant 7 : i32
      %dma_start3A_288 = arith.constant 0 : i32
      %dma_start3A_289 = arith.constant 0 : i32
      %dma_start3A_290 = tpu.memref_slice %arg9[%dma_start3A_287, %dma_start3A_288, %dma_start3A_289] : memref<16x16x128xf32, #tpu.memory_space<vmem>> -> memref<1x16x128xf32, #tpu.memory_space<vmem>>
      %dma_start3A_291 = tpu.memref_squeeze %dma_start3A_290 : memref<1x16x128xf32, #tpu.memory_space<vmem>> -> memref<16x128xf32, #tpu.memory_space<vmem>>
      %dma_start3A_292 = arith.constant 0 : i32
      %dma_start3A_293 = tpu.memref_slice %arg4[%dma_start3A_292, %multiple_of3A_283] : memref<16x1000000xf32, #tpu.memory_space<hbm>> -> memref<16x128xf32, #tpu.memory_space<hbm>>
      %dma_start3A_294 = arith.constant 0 : i32
      %dma_start3A_295 = arith.constant 0 : i32
      %dma_start3A_296 = tpu.memref_slice %arg9[%dma_start3A_287, %dma_start3A_294, %dma_start3A_295] : memref<16x16x128xf32, #tpu.memory_space<vmem>> -> memref<1x16x128xf32, #tpu.memory_space<vmem>>
      %dma_start3A_297 = tpu.memref_squeeze %dma_start3A_296 : memref<1x16x128xf32, #tpu.memory_space<vmem>> -> memref<16x128xf32, #tpu.memory_space<vmem>>
      %dma_start3A_298 = arith.constant 0 : i32
      %dma_start3A_299 = tpu.memref_slice %arg4[%dma_start3A_298, %multiple_of3A_283] : memref<16x1000000xf32, #tpu.memory_space<hbm>> -> memref<16x128xf32, #tpu.memory_space<hbm>>
      tpu.enqueue_dma source(%dma_start3A_299 : memref<16x128xf32, #tpu.memory_space<hbm>>) target(%dma_start3A_297 : memref<16x128xf32, #tpu.memory_space<vmem>>) target_semaphore(%arg12 : memref<!tpu.dma_semaphore, #tpu.memory_space<semaphore_mem>>)
      %dma_start3A_300 = arith.constant 7 : i32
      %dma_start3A_301 = arith.constant 0 : i32
      %dma_start3A_302 = arith.constant 0 : i32
      %dma_start3A_303 = tpu.memref_slice %arg10[%dma_start3A_300, %dma_start3A_301, %dma_start3A_302] : memref<16x16x128xf32, #tpu.memory_space<vmem>> -> memref<1x16x128xf32, #tpu.memory_space<vmem>>
      %dma_start3A_304 = tpu.memref_squeeze %dma_start3A_303 : memref<1x16x128xf32, #tpu.memory_space<vmem>> -> memref<16x128xf32, #tpu.memory_space<vmem>>
      %dma_start3A_305 = arith.constant 0 : i32
      %dma_start3A_306 = tpu.memref_slice %arg5[%dma_start3A_305, %multiple_of3A_286] : memref<16x1000000xf32, #tpu.memory_space<hbm>> -> memref<16x128xf32, #tpu.memory_space<hbm>>
      %dma_start3A_307 = arith.constant 0 : i32
      %dma_start3A_308 = arith.constant 0 : i32
      %dma_start3A_309 = tpu.memref_slice %arg10[%dma_start3A_300, %dma_start3A_307, %dma_start3A_308] : memref<16x16x128xf32, #tpu.memory_space<vmem>> -> memref<1x16x128xf32, #tpu.memory_space<vmem>>
      %dma_start3A_310 = tpu.memref_squeeze %dma_start3A_309 : memref<1x16x128xf32, #tpu.memory_space<vmem>> -> memref<16x128xf32, #tpu.memory_space<vmem>>
      %dma_start3A_311 = arith.constant 0 : i32
      %dma_start3A_312 = tpu.memref_slice %arg5[%dma_start3A_311, %multiple_of3A_286] : memref<16x1000000xf32, #tpu.memory_space<hbm>> -> memref<16x128xf32, #tpu.memory_space<hbm>>
      tpu.enqueue_dma source(%dma_start3A_312 : memref<16x128xf32, #tpu.memory_space<hbm>>) target(%dma_start3A_310 : memref<16x128xf32, #tpu.memory_space<vmem>>) target_semaphore(%arg12 : memref<!tpu.dma_semaphore, #tpu.memory_space<semaphore_mem>>)
      %slice3A_313 = vector.extract_strided_slice %mul3A_54 {offsets = [8], sizes = [1], strides = [1]} : vector<16xi32> to vector<1xi32>
      %squeeze3A_314 = vector.extract %slice3A_313[0] : i32 from vector<1xi32>
      %multiple_of3A_315 = tpu.assume_multiple %squeeze3A_314, 128 : i32
      %slice3A_316 = vector.extract_strided_slice %mul3A_60 {offsets = [8], sizes = [1], strides = [1]} : vector<16xi32> to vector<1xi32>
      %squeeze3A_317 = vector.extract %slice3A_316[0] : i32 from vector<1xi32>
      %multiple_of3A_318 = tpu.assume_multiple %squeeze3A_317, 128 : i32
      %dma_start3A_319 = arith.constant 8 : i32
      %dma_start3A_320 = arith.constant 0 : i32
      %dma_start3A_321 = arith.constant 0 : i32
      %dma_start3A_322 = tpu.memref_slice %arg9[%dma_start3A_319, %dma_start3A_320, %dma_start3A_321] : memref<16x16x128xf32, #tpu.memory_space<vmem>> -> memref<1x16x128xf32, #tpu.memory_space<vmem>>
      %dma_start3A_323 = tpu.memref_squeeze %dma_start3A_322 : memref<1x16x128xf32, #tpu.memory_space<vmem>> -> memref<16x128xf32, #tpu.memory_space<vmem>>
      %dma_start3A_324 = arith.constant 0 : i32
      %dma_start3A_325 = tpu.memref_slice %arg4[%dma_start3A_324, %multiple_of3A_315] : memref<16x1000000xf32, #tpu.memory_space<hbm>> -> memref<16x128xf32, #tpu.memory_space<hbm>>
      %dma_start3A_326 = arith.constant 0 : i32
      %dma_start3A_327 = arith.constant 0 : i32
      %dma_start3A_328 = tpu.memref_slice %arg9[%dma_start3A_319, %dma_start3A_326, %dma_start3A_327] : memref<16x16x128xf32, #tpu.memory_space<vmem>> -> memref<1x16x128xf32, #tpu.memory_space<vmem>>
      %dma_start3A_329 = tpu.memref_squeeze %dma_start3A_328 : memref<1x16x128xf32, #tpu.memory_space<vmem>> -> memref<16x128xf32, #tpu.memory_space<vmem>>
      %dma_start3A_330 = arith.constant 0 : i32
      %dma_start3A_331 = tpu.memref_slice %arg4[%dma_start3A_330, %multiple_of3A_315] : memref<16x1000000xf32, #tpu.memory_space<hbm>> -> memref<16x128xf32, #tpu.memory_space<hbm>>
      tpu.enqueue_dma source(%dma_start3A_331 : memref<16x128xf32, #tpu.memory_space<hbm>>) target(%dma_start3A_329 : memref<16x128xf32, #tpu.memory_space<vmem>>) target_semaphore(%arg12 : memref<!tpu.dma_semaphore, #tpu.memory_space<semaphore_mem>>)
      %dma_start3A_332 = arith.constant 8 : i32
      %dma_start3A_333 = arith.constant 0 : i32
      %dma_start3A_334 = arith.constant 0 : i32
      %dma_start3A_335 = tpu.memref_slice %arg10[%dma_start3A_332, %dma_start3A_333, %dma_start3A_334] : memref<16x16x128xf32, #tpu.memory_space<vmem>> -> memref<1x16x128xf32, #tpu.memory_space<vmem>>
      %dma_start3A_336 = tpu.memref_squeeze %dma_start3A_335 : memref<1x16x128xf32, #tpu.memory_space<vmem>> -> memref<16x128xf32, #tpu.memory_space<vmem>>
      %dma_start3A_337 = arith.constant 0 : i32
      %dma_start3A_338 = tpu.memref_slice %arg5[%dma_start3A_337, %multiple_of3A_318] : memref<16x1000000xf32, #tpu.memory_space<hbm>> -> memref<16x128xf32, #tpu.memory_space<hbm>>
      %dma_start3A_339 = arith.constant 0 : i32
      %dma_start3A_340 = arith.constant 0 : i32
      %dma_start3A_341 = tpu.memref_slice %arg10[%dma_start3A_332, %dma_start3A_339, %dma_start3A_340] : memref<16x16x128xf32, #tpu.memory_space<vmem>> -> memref<1x16x128xf32, #tpu.memory_space<vmem>>
      %dma_start3A_342 = tpu.memref_squeeze %dma_start3A_341 : memref<1x16x128xf32, #tpu.memory_space<vmem>> -> memref<16x128xf32, #tpu.memory_space<vmem>>
      %dma_start3A_343 = arith.constant 0 : i32
      %dma_start3A_344 = tpu.memref_slice %arg5[%dma_start3A_343, %multiple_of3A_318] : memref<16x1000000xf32, #tpu.memory_space<hbm>> -> memref<16x128xf32, #tpu.memory_space<hbm>>
      tpu.enqueue_dma source(%dma_start3A_344 : memref<16x128xf32, #tpu.memory_space<hbm>>) target(%dma_start3A_342 : memref<16x128xf32, #tpu.memory_space<vmem>>) target_semaphore(%arg12 : memref<!tpu.dma_semaphore, #tpu.memory_space<semaphore_mem>>)
      %slice3A_345 = vector.extract_strided_slice %mul3A_54 {offsets = [9], sizes = [1], strides = [1]} : vector<16xi32> to vector<1xi32>
      %squeeze3A_346 = vector.extract %slice3A_345[0] : i32 from vector<1xi32>
      %multiple_of3A_347 = tpu.assume_multiple %squeeze3A_346, 128 : i32
      %slice3A_348 = vector.extract_strided_slice %mul3A_60 {offsets = [9], sizes = [1], strides = [1]} : vector<16xi32> to vector<1xi32>
      %squeeze3A_349 = vector.extract %slice3A_348[0] : i32 from vector<1xi32>
      %multiple_of3A_350 = tpu.assume_multiple %squeeze3A_349, 128 : i32
      %dma_start3A_351 = arith.constant 9 : i32
      %dma_start3A_352 = arith.constant 0 : i32
      %dma_start3A_353 = arith.constant 0 : i32
      %dma_start3A_354 = tpu.memref_slice %arg9[%dma_start3A_351, %dma_start3A_352, %dma_start3A_353] : memref<16x16x128xf32, #tpu.memory_space<vmem>> -> memref<1x16x128xf32, #tpu.memory_space<vmem>>
      %dma_start3A_355 = tpu.memref_squeeze %dma_start3A_354 : memref<1x16x128xf32, #tpu.memory_space<vmem>> -> memref<16x128xf32, #tpu.memory_space<vmem>>
      %dma_start3A_356 = arith.constant 0 : i32
      %dma_start3A_357 = tpu.memref_slice %arg4[%dma_start3A_356, %multiple_of3A_347] : memref<16x1000000xf32, #tpu.memory_space<hbm>> -> memref<16x128xf32, #tpu.memory_space<hbm>>
      %dma_start3A_358 = arith.constant 0 : i32
      %dma_start3A_359 = arith.constant 0 : i32
      %dma_start3A_360 = tpu.memref_slice %arg9[%dma_start3A_351, %dma_start3A_358, %dma_start3A_359] : memref<16x16x128xf32, #tpu.memory_space<vmem>> -> memref<1x16x128xf32, #tpu.memory_space<vmem>>
      %dma_start3A_361 = tpu.memref_squeeze %dma_start3A_360 : memref<1x16x128xf32, #tpu.memory_space<vmem>> -> memref<16x128xf32, #tpu.memory_space<vmem>>
      %dma_start3A_362 = arith.constant 0 : i32
      %dma_start3A_363 = tpu.memref_slice %arg4[%dma_start3A_362, %multiple_of3A_347] : memref<16x1000000xf32, #tpu.memory_space<hbm>> -> memref<16x128xf32, #tpu.memory_space<hbm>>
      tpu.enqueue_dma source(%dma_start3A_363 : memref<16x128xf32, #tpu.memory_space<hbm>>) target(%dma_start3A_361 : memref<16x128xf32, #tpu.memory_space<vmem>>) target_semaphore(%arg12 : memref<!tpu.dma_semaphore, #tpu.memory_space<semaphore_mem>>)
      %dma_start3A_364 = arith.constant 9 : i32
      %dma_start3A_365 = arith.constant 0 : i32
      %dma_start3A_366 = arith.constant 0 : i32
      %dma_start3A_367 = tpu.memref_slice %arg10[%dma_start3A_364, %dma_start3A_365, %dma_start3A_366] : memref<16x16x128xf32, #tpu.memory_space<vmem>> -> memref<1x16x128xf32, #tpu.memory_space<vmem>>
      %dma_start3A_368 = tpu.memref_squeeze %dma_start3A_367 : memref<1x16x128xf32, #tpu.memory_space<vmem>> -> memref<16x128xf32, #tpu.memory_space<vmem>>
      %dma_start3A_369 = arith.constant 0 : i32
      %dma_start3A_370 = tpu.memref_slice %arg5[%dma_start3A_369, %multiple_of3A_350] : memref<16x1000000xf32, #tpu.memory_space<hbm>> -> memref<16x128xf32, #tpu.memory_space<hbm>>
      %dma_start3A_371 = arith.constant 0 : i32
      %dma_start3A_372 = arith.constant 0 : i32
      %dma_start3A_373 = tpu.memref_slice %arg10[%dma_start3A_364, %dma_start3A_371, %dma_start3A_372] : memref<16x16x128xf32, #tpu.memory_space<vmem>> -> memref<1x16x128xf32, #tpu.memory_space<vmem>>
      %dma_start3A_374 = tpu.memref_squeeze %dma_start3A_373 : memref<1x16x128xf32, #tpu.memory_space<vmem>> -> memref<16x128xf32, #tpu.memory_space<vmem>>
      %dma_start3A_375 = arith.constant 0 : i32
      %dma_start3A_376 = tpu.memref_slice %arg5[%dma_start3A_375, %multiple_of3A_350] : memref<16x1000000xf32, #tpu.memory_space<hbm>> -> memref<16x128xf32, #tpu.memory_space<hbm>>
      tpu.enqueue_dma source(%dma_start3A_376 : memref<16x128xf32, #tpu.memory_space<hbm>>) target(%dma_start3A_374 : memref<16x128xf32, #tpu.memory_space<vmem>>) target_semaphore(%arg12 : memref<!tpu.dma_semaphore, #tpu.memory_space<semaphore_mem>>)
      %slice3A_377 = vector.extract_strided_slice %mul3A_54 {offsets = [10], sizes = [1], strides = [1]} : vector<16xi32> to vector<1xi32>
      %squeeze3A_378 = vector.extract %slice3A_377[0] : i32 from vector<1xi32>
      %multiple_of3A_379 = tpu.assume_multiple %squeeze3A_378, 128 : i32
      %slice3A_380 = vector.extract_strided_slice %mul3A_60 {offsets = [10], sizes = [1], strides = [1]} : vector<16xi32> to vector<1xi32>
      %squeeze3A_381 = vector.extract %slice3A_380[0] : i32 from vector<1xi32>
      %multiple_of3A_382 = tpu.assume_multiple %squeeze3A_381, 128 : i32
      %dma_start3A_383 = arith.constant 10 : i32
      %dma_start3A_384 = arith.constant 0 : i32
      %dma_start3A_385 = arith.constant 0 : i32
      %dma_start3A_386 = tpu.memref_slice %arg9[%dma_start3A_383, %dma_start3A_384, %dma_start3A_385] : memref<16x16x128xf32, #tpu.memory_space<vmem>> -> memref<1x16x128xf32, #tpu.memory_space<vmem>>
      %dma_start3A_387 = tpu.memref_squeeze %dma_start3A_386 : memref<1x16x128xf32, #tpu.memory_space<vmem>> -> memref<16x128xf32, #tpu.memory_space<vmem>>
      %dma_start3A_388 = arith.constant 0 : i32
      %dma_start3A_389 = tpu.memref_slice %arg4[%dma_start3A_388, %multiple_of3A_379] : memref<16x1000000xf32, #tpu.memory_space<hbm>> -> memref<16x128xf32, #tpu.memory_space<hbm>>
      %dma_start3A_390 = arith.constant 0 : i32
      %dma_start3A_391 = arith.constant 0 : i32
      %dma_start3A_392 = tpu.memref_slice %arg9[%dma_start3A_383, %dma_start3A_390, %dma_start3A_391] : memref<16x16x128xf32, #tpu.memory_space<vmem>> -> memref<1x16x128xf32, #tpu.memory_space<vmem>>
      %dma_start3A_393 = tpu.memref_squeeze %dma_start3A_392 : memref<1x16x128xf32, #tpu.memory_space<vmem>> -> memref<16x128xf32, #tpu.memory_space<vmem>>
      %dma_start3A_394 = arith.constant 0 : i32
      %dma_start3A_395 = tpu.memref_slice %arg4[%dma_start3A_394, %multiple_of3A_379] : memref<16x1000000xf32, #tpu.memory_space<hbm>> -> memref<16x128xf32, #tpu.memory_space<hbm>>
      tpu.enqueue_dma source(%dma_start3A_395 : memref<16x128xf32, #tpu.memory_space<hbm>>) target(%dma_start3A_393 : memref<16x128xf32, #tpu.memory_space<vmem>>) target_semaphore(%arg12 : memref<!tpu.dma_semaphore, #tpu.memory_space<semaphore_mem>>)
      %dma_start3A_396 = arith.constant 10 : i32
      %dma_start3A_397 = arith.constant 0 : i32
      %dma_start3A_398 = arith.constant 0 : i32
      %dma_start3A_399 = tpu.memref_slice %arg10[%dma_start3A_396, %dma_start3A_397, %dma_start3A_398] : memref<16x16x128xf32, #tpu.memory_space<vmem>> -> memref<1x16x128xf32, #tpu.memory_space<vmem>>
      %dma_start3A_400 = tpu.memref_squeeze %dma_start3A_399 : memref<1x16x128xf32, #tpu.memory_space<vmem>> -> memref<16x128xf32, #tpu.memory_space<vmem>>
      %dma_start3A_401 = arith.constant 0 : i32
      %dma_start3A_402 = tpu.memref_slice %arg5[%dma_start3A_401, %multiple_of3A_382] : memref<16x1000000xf32, #tpu.memory_space<hbm>> -> memref<16x128xf32, #tpu.memory_space<hbm>>
      %dma_start3A_403 = arith.constant 0 : i32
      %dma_start3A_404 = arith.constant 0 : i32
      %dma_start3A_405 = tpu.memref_slice %arg10[%dma_start3A_396, %dma_start3A_403, %dma_start3A_404] : memref<16x16x128xf32, #tpu.memory_space<vmem>> -> memref<1x16x128xf32, #tpu.memory_space<vmem>>
      %dma_start3A_406 = tpu.memref_squeeze %dma_start3A_405 : memref<1x16x128xf32, #tpu.memory_space<vmem>> -> memref<16x128xf32, #tpu.memory_space<vmem>>
      %dma_start3A_407 = arith.constant 0 : i32
      %dma_start3A_408 = tpu.memref_slice %arg5[%dma_start3A_407, %multiple_of3A_382] : memref<16x1000000xf32, #tpu.memory_space<hbm>> -> memref<16x128xf32, #tpu.memory_space<hbm>>
      tpu.enqueue_dma source(%dma_start3A_408 : memref<16x128xf32, #tpu.memory_space<hbm>>) target(%dma_start3A_406 : memref<16x128xf32, #tpu.memory_space<vmem>>) target_semaphore(%arg12 : memref<!tpu.dma_semaphore, #tpu.memory_space<semaphore_mem>>)
      %slice3A_409 = vector.extract_strided_slice %mul3A_54 {offsets = [11], sizes = [1], strides = [1]} : vector<16xi32> to vector<1xi32>
      %squeeze3A_410 = vector.extract %slice3A_409[0] : i32 from vector<1xi32>
      %multiple_of3A_411 = tpu.assume_multiple %squeeze3A_410, 128 : i32
      %slice3A_412 = vector.extract_strided_slice %mul3A_60 {offsets = [11], sizes = [1], strides = [1]} : vector<16xi32> to vector<1xi32>
      %squeeze3A_413 = vector.extract %slice3A_412[0] : i32 from vector<1xi32>
      %multiple_of3A_414 = tpu.assume_multiple %squeeze3A_413, 128 : i32
      %dma_start3A_415 = arith.constant 11 : i32
      %dma_start3A_416 = arith.constant 0 : i32
      %dma_start3A_417 = arith.constant 0 : i32
      %dma_start3A_418 = tpu.memref_slice %arg9[%dma_start3A_415, %dma_start3A_416, %dma_start3A_417] : memref<16x16x128xf32, #tpu.memory_space<vmem>> -> memref<1x16x128xf32, #tpu.memory_space<vmem>>
      %dma_start3A_419 = tpu.memref_squeeze %dma_start3A_418 : memref<1x16x128xf32, #tpu.memory_space<vmem>> -> memref<16x128xf32, #tpu.memory_space<vmem>>
      %dma_start3A_420 = arith.constant 0 : i32
      %dma_start3A_421 = tpu.memref_slice %arg4[%dma_start3A_420, %multiple_of3A_411] : memref<16x1000000xf32, #tpu.memory_space<hbm>> -> memref<16x128xf32, #tpu.memory_space<hbm>>
      %dma_start3A_422 = arith.constant 0 : i32
      %dma_start3A_423 = arith.constant 0 : i32
      %dma_start3A_424 = tpu.memref_slice %arg9[%dma_start3A_415, %dma_start3A_422, %dma_start3A_423] : memref<16x16x128xf32, #tpu.memory_space<vmem>> -> memref<1x16x128xf32, #tpu.memory_space<vmem>>
      %dma_start3A_425 = tpu.memref_squeeze %dma_start3A_424 : memref<1x16x128xf32, #tpu.memory_space<vmem>> -> memref<16x128xf32, #tpu.memory_space<vmem>>
      %dma_start3A_426 = arith.constant 0 : i32
      %dma_start3A_427 = tpu.memref_slice %arg4[%dma_start3A_426, %multiple_of3A_411] : memref<16x1000000xf32, #tpu.memory_space<hbm>> -> memref<16x128xf32, #tpu.memory_space<hbm>>
      tpu.enqueue_dma source(%dma_start3A_427 : memref<16x128xf32, #tpu.memory_space<hbm>>) target(%dma_start3A_425 : memref<16x128xf32, #tpu.memory_space<vmem>>) target_semaphore(%arg12 : memref<!tpu.dma_semaphore, #tpu.memory_space<semaphore_mem>>)
      %dma_start3A_428 = arith.constant 11 : i32
      %dma_start3A_429 = arith.constant 0 : i32
      %dma_start3A_430 = arith.constant 0 : i32
      %dma_start3A_431 = tpu.memref_slice %arg10[%dma_start3A_428, %dma_start3A_429, %dma_start3A_430] : memref<16x16x128xf32, #tpu.memory_space<vmem>> -> memref<1x16x128xf32, #tpu.memory_space<vmem>>
      %dma_start3A_432 = tpu.memref_squeeze %dma_start3A_431 : memref<1x16x128xf32, #tpu.memory_space<vmem>> -> memref<16x128xf32, #tpu.memory_space<vmem>>
      %dma_start3A_433 = arith.constant 0 : i32
      %dma_start3A_434 = tpu.memref_slice %arg5[%dma_start3A_433, %multiple_of3A_414] : memref<16x1000000xf32, #tpu.memory_space<hbm>> -> memref<16x128xf32, #tpu.memory_space<hbm>>
      %dma_start3A_435 = arith.constant 0 : i32
      %dma_start3A_436 = arith.constant 0 : i32
      %dma_start3A_437 = tpu.memref_slice %arg10[%dma_start3A_428, %dma_start3A_435, %dma_start3A_436] : memref<16x16x128xf32, #tpu.memory_space<vmem>> -> memref<1x16x128xf32, #tpu.memory_space<vmem>>
      %dma_start3A_438 = tpu.memref_squeeze %dma_start3A_437 : memref<1x16x128xf32, #tpu.memory_space<vmem>> -> memref<16x128xf32, #tpu.memory_space<vmem>>
      %dma_start3A_439 = arith.constant 0 : i32
      %dma_start3A_440 = tpu.memref_slice %arg5[%dma_start3A_439, %multiple_of3A_414] : memref<16x1000000xf32, #tpu.memory_space<hbm>> -> memref<16x128xf32, #tpu.memory_space<hbm>>
      tpu.enqueue_dma source(%dma_start3A_440 : memref<16x128xf32, #tpu.memory_space<hbm>>) target(%dma_start3A_438 : memref<16x128xf32, #tpu.memory_space<vmem>>) target_semaphore(%arg12 : memref<!tpu.dma_semaphore, #tpu.memory_space<semaphore_mem>>)
      %slice3A_441 = vector.extract_strided_slice %mul3A_54 {offsets = [12], sizes = [1], strides = [1]} : vector<16xi32> to vector<1xi32>
      %squeeze3A_442 = vector.extract %slice3A_441[0] : i32 from vector<1xi32>
      %multiple_of3A_443 = tpu.assume_multiple %squeeze3A_442, 128 : i32
      %slice3A_444 = vector.extract_strided_slice %mul3A_60 {offsets = [12], sizes = [1], strides = [1]} : vector<16xi32> to vector<1xi32>
      %squeeze3A_445 = vector.extract %slice3A_444[0] : i32 from vector<1xi32>
      %multiple_of3A_446 = tpu.assume_multiple %squeeze3A_445, 128 : i32
      %dma_start3A_447 = arith.constant 12 : i32
      %dma_start3A_448 = arith.constant 0 : i32
      %dma_start3A_449 = arith.constant 0 : i32
      %dma_start3A_450 = tpu.memref_slice %arg9[%dma_start3A_447, %dma_start3A_448, %dma_start3A_449] : memref<16x16x128xf32, #tpu.memory_space<vmem>> -> memref<1x16x128xf32, #tpu.memory_space<vmem>>
      %dma_start3A_451 = tpu.memref_squeeze %dma_start3A_450 : memref<1x16x128xf32, #tpu.memory_space<vmem>> -> memref<16x128xf32, #tpu.memory_space<vmem>>
      %dma_start3A_452 = arith.constant 0 : i32
      %dma_start3A_453 = tpu.memref_slice %arg4[%dma_start3A_452, %multiple_of3A_443] : memref<16x1000000xf32, #tpu.memory_space<hbm>> -> memref<16x128xf32, #tpu.memory_space<hbm>>
      %dma_start3A_454 = arith.constant 0 : i32
      %dma_start3A_455 = arith.constant 0 : i32
      %dma_start3A_456 = tpu.memref_slice %arg9[%dma_start3A_447, %dma_start3A_454, %dma_start3A_455] : memref<16x16x128xf32, #tpu.memory_space<vmem>> -> memref<1x16x128xf32, #tpu.memory_space<vmem>>
      %dma_start3A_457 = tpu.memref_squeeze %dma_start3A_456 : memref<1x16x128xf32, #tpu.memory_space<vmem>> -> memref<16x128xf32, #tpu.memory_space<vmem>>
      %dma_start3A_458 = arith.constant 0 : i32
      %dma_start3A_459 = tpu.memref_slice %arg4[%dma_start3A_458, %multiple_of3A_443] : memref<16x1000000xf32, #tpu.memory_space<hbm>> -> memref<16x128xf32, #tpu.memory_space<hbm>>
      tpu.enqueue_dma source(%dma_start3A_459 : memref<16x128xf32, #tpu.memory_space<hbm>>) target(%dma_start3A_457 : memref<16x128xf32, #tpu.memory_space<vmem>>) target_semaphore(%arg12 : memref<!tpu.dma_semaphore, #tpu.memory_space<semaphore_mem>>)
      %dma_start3A_460 = arith.constant 12 : i32
      %dma_start3A_461 = arith.constant 0 : i32
      %dma_start3A_462 = arith.constant 0 : i32
      %dma_start3A_463 = tpu.memref_slice %arg10[%dma_start3A_460, %dma_start3A_461, %dma_start3A_462] : memref<16x16x128xf32, #tpu.memory_space<vmem>> -> memref<1x16x128xf32, #tpu.memory_space<vmem>>
      %dma_start3A_464 = tpu.memref_squeeze %dma_start3A_463 : memref<1x16x128xf32, #tpu.memory_space<vmem>> -> memref<16x128xf32, #tpu.memory_space<vmem>>
      %dma_start3A_465 = arith.constant 0 : i32
      %dma_start3A_466 = tpu.memref_slice %arg5[%dma_start3A_465, %multiple_of3A_446] : memref<16x1000000xf32, #tpu.memory_space<hbm>> -> memref<16x128xf32, #tpu.memory_space<hbm>>
      %dma_start3A_467 = arith.constant 0 : i32
      %dma_start3A_468 = arith.constant 0 : i32
      %dma_start3A_469 = tpu.memref_slice %arg10[%dma_start3A_460, %dma_start3A_467, %dma_start3A_468] : memref<16x16x128xf32, #tpu.memory_space<vmem>> -> memref<1x16x128xf32, #tpu.memory_space<vmem>>
      %dma_start3A_470 = tpu.memref_squeeze %dma_start3A_469 : memref<1x16x128xf32, #tpu.memory_space<vmem>> -> memref<16x128xf32, #tpu.memory_space<vmem>>
      %dma_start3A_471 = arith.constant 0 : i32
      %dma_start3A_472 = tpu.memref_slice %arg5[%dma_start3A_471, %multiple_of3A_446] : memref<16x1000000xf32, #tpu.memory_space<hbm>> -> memref<16x128xf32, #tpu.memory_space<hbm>>
      tpu.enqueue_dma source(%dma_start3A_472 : memref<16x128xf32, #tpu.memory_space<hbm>>) target(%dma_start3A_470 : memref<16x128xf32, #tpu.memory_space<vmem>>) target_semaphore(%arg12 : memref<!tpu.dma_semaphore, #tpu.memory_space<semaphore_mem>>)
      %slice3A_473 = vector.extract_strided_slice %mul3A_54 {offsets = [13], sizes = [1], strides = [1]} : vector<16xi32> to vector<1xi32>
      %squeeze3A_474 = vector.extract %slice3A_473[0] : i32 from vector<1xi32>
      %multiple_of3A_475 = tpu.assume_multiple %squeeze3A_474, 128 : i32
      %slice3A_476 = vector.extract_strided_slice %mul3A_60 {offsets = [13], sizes = [1], strides = [1]} : vector<16xi32> to vector<1xi32>
      %squeeze3A_477 = vector.extract %slice3A_476[0] : i32 from vector<1xi32>
      %multiple_of3A_478 = tpu.assume_multiple %squeeze3A_477, 128 : i32
      %dma_start3A_479 = arith.constant 13 : i32
      %dma_start3A_480 = arith.constant 0 : i32
      %dma_start3A_481 = arith.constant 0 : i32
      %dma_start3A_482 = tpu.memref_slice %arg9[%dma_start3A_479, %dma_start3A_480, %dma_start3A_481] : memref<16x16x128xf32, #tpu.memory_space<vmem>> -> memref<1x16x128xf32, #tpu.memory_space<vmem>>
      %dma_start3A_483 = tpu.memref_squeeze %dma_start3A_482 : memref<1x16x128xf32, #tpu.memory_space<vmem>> -> memref<16x128xf32, #tpu.memory_space<vmem>>
      %dma_start3A_484 = arith.constant 0 : i32
      %dma_start3A_485 = tpu.memref_slice %arg4[%dma_start3A_484, %multiple_of3A_475] : memref<16x1000000xf32, #tpu.memory_space<hbm>> -> memref<16x128xf32, #tpu.memory_space<hbm>>
      %dma_start3A_486 = arith.constant 0 : i32
      %dma_start3A_487 = arith.constant 0 : i32
      %dma_start3A_488 = tpu.memref_slice %arg9[%dma_start3A_479, %dma_start3A_486, %dma_start3A_487] : memref<16x16x128xf32, #tpu.memory_space<vmem>> -> memref<1x16x128xf32, #tpu.memory_space<vmem>>
      %dma_start3A_489 = tpu.memref_squeeze %dma_start3A_488 : memref<1x16x128xf32, #tpu.memory_space<vmem>> -> memref<16x128xf32, #tpu.memory_space<vmem>>
      %dma_start3A_490 = arith.constant 0 : i32
      %dma_start3A_491 = tpu.memref_slice %arg4[%dma_start3A_490, %multiple_of3A_475] : memref<16x1000000xf32, #tpu.memory_space<hbm>> -> memref<16x128xf32, #tpu.memory_space<hbm>>
      tpu.enqueue_dma source(%dma_start3A_491 : memref<16x128xf32, #tpu.memory_space<hbm>>) target(%dma_start3A_489 : memref<16x128xf32, #tpu.memory_space<vmem>>) target_semaphore(%arg12 : memref<!tpu.dma_semaphore, #tpu.memory_space<semaphore_mem>>)
      %dma_start3A_492 = arith.constant 13 : i32
      %dma_start3A_493 = arith.constant 0 : i32
      %dma_start3A_494 = arith.constant 0 : i32
      %dma_start3A_495 = tpu.memref_slice %arg10[%dma_start3A_492, %dma_start3A_493, %dma_start3A_494] : memref<16x16x128xf32, #tpu.memory_space<vmem>> -> memref<1x16x128xf32, #tpu.memory_space<vmem>>
      %dma_start3A_496 = tpu.memref_squeeze %dma_start3A_495 : memref<1x16x128xf32, #tpu.memory_space<vmem>> -> memref<16x128xf32, #tpu.memory_space<vmem>>
      %dma_start3A_497 = arith.constant 0 : i32
      %dma_start3A_498 = tpu.memref_slice %arg5[%dma_start3A_497, %multiple_of3A_478] : memref<16x1000000xf32, #tpu.memory_space<hbm>> -> memref<16x128xf32, #tpu.memory_space<hbm>>
      %dma_start3A_499 = arith.constant 0 : i32
      %dma_start3A_500 = arith.constant 0 : i32
      %dma_start3A_501 = tpu.memref_slice %arg10[%dma_start3A_492, %dma_start3A_499, %dma_start3A_500] : memref<16x16x128xf32, #tpu.memory_space<vmem>> -> memref<1x16x128xf32, #tpu.memory_space<vmem>>
      %dma_start3A_502 = tpu.memref_squeeze %dma_start3A_501 : memref<1x16x128xf32, #tpu.memory_space<vmem>> -> memref<16x128xf32, #tpu.memory_space<vmem>>
      %dma_start3A_503 = arith.constant 0 : i32
      %dma_start3A_504 = tpu.memref_slice %arg5[%dma_start3A_503, %multiple_of3A_478] : memref<16x1000000xf32, #tpu.memory_space<hbm>> -> memref<16x128xf32, #tpu.memory_space<hbm>>
      tpu.enqueue_dma source(%dma_start3A_504 : memref<16x128xf32, #tpu.memory_space<hbm>>) target(%dma_start3A_502 : memref<16x128xf32, #tpu.memory_space<vmem>>) target_semaphore(%arg12 : memref<!tpu.dma_semaphore, #tpu.memory_space<semaphore_mem>>)
      %slice3A_505 = vector.extract_strided_slice %mul3A_54 {offsets = [14], sizes = [1], strides = [1]} : vector<16xi32> to vector<1xi32>
      %squeeze3A_506 = vector.extract %slice3A_505[0] : i32 from vector<1xi32>
      %multiple_of3A_507 = tpu.assume_multiple %squeeze3A_506, 128 : i32
      %slice3A_508 = vector.extract_strided_slice %mul3A_60 {offsets = [14], sizes = [1], strides = [1]} : vector<16xi32> to vector<1xi32>
      %squeeze3A_509 = vector.extract %slice3A_508[0] : i32 from vector<1xi32>
      %multiple_of3A_510 = tpu.assume_multiple %squeeze3A_509, 128 : i32
      %dma_start3A_511 = arith.constant 14 : i32
      %dma_start3A_512 = arith.constant 0 : i32
      %dma_start3A_513 = arith.constant 0 : i32
      %dma_start3A_514 = tpu.memref_slice %arg9[%dma_start3A_511, %dma_start3A_512, %dma_start3A_513] : memref<16x16x128xf32, #tpu.memory_space<vmem>> -> memref<1x16x128xf32, #tpu.memory_space<vmem>>
      %dma_start3A_515 = tpu.memref_squeeze %dma_start3A_514 : memref<1x16x128xf32, #tpu.memory_space<vmem>> -> memref<16x128xf32, #tpu.memory_space<vmem>>
      %dma_start3A_516 = arith.constant 0 : i32
      %dma_start3A_517 = tpu.memref_slice %arg4[%dma_start3A_516, %multiple_of3A_507] : memref<16x1000000xf32, #tpu.memory_space<hbm>> -> memref<16x128xf32, #tpu.memory_space<hbm>>
      %dma_start3A_518 = arith.constant 0 : i32
      %dma_start3A_519 = arith.constant 0 : i32
      %dma_start3A_520 = tpu.memref_slice %arg9[%dma_start3A_511, %dma_start3A_518, %dma_start3A_519] : memref<16x16x128xf32, #tpu.memory_space<vmem>> -> memref<1x16x128xf32, #tpu.memory_space<vmem>>
      %dma_start3A_521 = tpu.memref_squeeze %dma_start3A_520 : memref<1x16x128xf32, #tpu.memory_space<vmem>> -> memref<16x128xf32, #tpu.memory_space<vmem>>
      %dma_start3A_522 = arith.constant 0 : i32
      %dma_start3A_523 = tpu.memref_slice %arg4[%dma_start3A_522, %multiple_of3A_507] : memref<16x1000000xf32, #tpu.memory_space<hbm>> -> memref<16x128xf32, #tpu.memory_space<hbm>>
      tpu.enqueue_dma source(%dma_start3A_523 : memref<16x128xf32, #tpu.memory_space<hbm>>) target(%dma_start3A_521 : memref<16x128xf32, #tpu.memory_space<vmem>>) target_semaphore(%arg12 : memref<!tpu.dma_semaphore, #tpu.memory_space<semaphore_mem>>)
      %dma_start3A_524 = arith.constant 14 : i32
      %dma_start3A_525 = arith.constant 0 : i32
      %dma_start3A_526 = arith.constant 0 : i32
      %dma_start3A_527 = tpu.memref_slice %arg10[%dma_start3A_524, %dma_start3A_525, %dma_start3A_526] : memref<16x16x128xf32, #tpu.memory_space<vmem>> -> memref<1x16x128xf32, #tpu.memory_space<vmem>>
      %dma_start3A_528 = tpu.memref_squeeze %dma_start3A_527 : memref<1x16x128xf32, #tpu.memory_space<vmem>> -> memref<16x128xf32, #tpu.memory_space<vmem>>
      %dma_start3A_529 = arith.constant 0 : i32
      %dma_start3A_530 = tpu.memref_slice %arg5[%dma_start3A_529, %multiple_of3A_510] : memref<16x1000000xf32, #tpu.memory_space<hbm>> -> memref<16x128xf32, #tpu.memory_space<hbm>>
      %dma_start3A_531 = arith.constant 0 : i32
      %dma_start3A_532 = arith.constant 0 : i32
      %dma_start3A_533 = tpu.memref_slice %arg10[%dma_start3A_524, %dma_start3A_531, %dma_start3A_532] : memref<16x16x128xf32, #tpu.memory_space<vmem>> -> memref<1x16x128xf32, #tpu.memory_space<vmem>>
      %dma_start3A_534 = tpu.memref_squeeze %dma_start3A_533 : memref<1x16x128xf32, #tpu.memory_space<vmem>> -> memref<16x128xf32, #tpu.memory_space<vmem>>
      %dma_start3A_535 = arith.constant 0 : i32
      %dma_start3A_536 = tpu.memref_slice %arg5[%dma_start3A_535, %multiple_of3A_510] : memref<16x1000000xf32, #tpu.memory_space<hbm>> -> memref<16x128xf32, #tpu.memory_space<hbm>>
      tpu.enqueue_dma source(%dma_start3A_536 : memref<16x128xf32, #tpu.memory_space<hbm>>) target(%dma_start3A_534 : memref<16x128xf32, #tpu.memory_space<vmem>>) target_semaphore(%arg12 : memref<!tpu.dma_semaphore, #tpu.memory_space<semaphore_mem>>)
      %slice3A_537 = vector.extract_strided_slice %mul3A_54 {offsets = [15], sizes = [1], strides = [1]} : vector<16xi32> to vector<1xi32>
      %squeeze3A_538 = vector.extract %slice3A_537[0] : i32 from vector<1xi32>
      %multiple_of3A_539 = tpu.assume_multiple %squeeze3A_538, 128 : i32
      %slice3A_540 = vector.extract_strided_slice %mul3A_60 {offsets = [15], sizes = [1], strides = [1]} : vector<16xi32> to vector<1xi32>
      %squeeze3A_541 = vector.extract %slice3A_540[0] : i32 from vector<1xi32>
      %multiple_of3A_542 = tpu.assume_multiple %squeeze3A_541, 128 : i32
      %dma_start3A_543 = arith.constant 15 : i32
      %dma_start3A_544 = arith.constant 0 : i32
      %dma_start3A_545 = arith.constant 0 : i32
      %dma_start3A_546 = tpu.memref_slice %arg9[%dma_start3A_543, %dma_start3A_544, %dma_start3A_545] : memref<16x16x128xf32, #tpu.memory_space<vmem>> -> memref<1x16x128xf32, #tpu.memory_space<vmem>>
      %dma_start3A_547 = tpu.memref_squeeze %dma_start3A_546 : memref<1x16x128xf32, #tpu.memory_space<vmem>> -> memref<16x128xf32, #tpu.memory_space<vmem>>
      %dma_start3A_548 = arith.constant 0 : i32
      %dma_start3A_549 = tpu.memref_slice %arg4[%dma_start3A_548, %multiple_of3A_539] : memref<16x1000000xf32, #tpu.memory_space<hbm>> -> memref<16x128xf32, #tpu.memory_space<hbm>>
      %dma_start3A_550 = arith.constant 0 : i32
      %dma_start3A_551 = arith.constant 0 : i32
      %dma_start3A_552 = tpu.memref_slice %arg9[%dma_start3A_543, %dma_start3A_550, %dma_start3A_551] : memref<16x16x128xf32, #tpu.memory_space<vmem>> -> memref<1x16x128xf32, #tpu.memory_space<vmem>>
      %dma_start3A_553 = tpu.memref_squeeze %dma_start3A_552 : memref<1x16x128xf32, #tpu.memory_space<vmem>> -> memref<16x128xf32, #tpu.memory_space<vmem>>
      %dma_start3A_554 = arith.constant 0 : i32
      %dma_start3A_555 = tpu.memref_slice %arg4[%dma_start3A_554, %multiple_of3A_539] : memref<16x1000000xf32, #tpu.memory_space<hbm>> -> memref<16x128xf32, #tpu.memory_space<hbm>>
      tpu.enqueue_dma source(%dma_start3A_555 : memref<16x128xf32, #tpu.memory_space<hbm>>) target(%dma_start3A_553 : memref<16x128xf32, #tpu.memory_space<vmem>>) target_semaphore(%arg12 : memref<!tpu.dma_semaphore, #tpu.memory_space<semaphore_mem>>)
      %dma_start3A_556 = arith.constant 15 : i32
      %dma_start3A_557 = arith.constant 0 : i32
      %dma_start3A_558 = arith.constant 0 : i32
      %dma_start3A_559 = tpu.memref_slice %arg10[%dma_start3A_556, %dma_start3A_557, %dma_start3A_558] : memref<16x16x128xf32, #tpu.memory_space<vmem>> -> memref<1x16x128xf32, #tpu.memory_space<vmem>>
      %dma_start3A_560 = tpu.memref_squeeze %dma_start3A_559 : memref<1x16x128xf32, #tpu.memory_space<vmem>> -> memref<16x128xf32, #tpu.memory_space<vmem>>
      %dma_start3A_561 = arith.constant 0 : i32
      %dma_start3A_562 = tpu.memref_slice %arg5[%dma_start3A_561, %multiple_of3A_542] : memref<16x1000000xf32, #tpu.memory_space<hbm>> -> memref<16x128xf32, #tpu.memory_space<hbm>>
      %dma_start3A_563 = arith.constant 0 : i32
      %dma_start3A_564 = arith.constant 0 : i32
      %dma_start3A_565 = tpu.memref_slice %arg10[%dma_start3A_556, %dma_start3A_563, %dma_start3A_564] : memref<16x16x128xf32, #tpu.memory_space<vmem>> -> memref<1x16x128xf32, #tpu.memory_space<vmem>>
      %dma_start3A_566 = tpu.memref_squeeze %dma_start3A_565 : memref<1x16x128xf32, #tpu.memory_space<vmem>> -> memref<16x128xf32, #tpu.memory_space<vmem>>
      %dma_start3A_567 = arith.constant 0 : i32
      %dma_start3A_568 = tpu.memref_slice %arg5[%dma_start3A_567, %multiple_of3A_542] : memref<16x1000000xf32, #tpu.memory_space<hbm>> -> memref<16x128xf32, #tpu.memory_space<hbm>>
      tpu.enqueue_dma source(%dma_start3A_568 : memref<16x128xf32, #tpu.memory_space<hbm>>) target(%dma_start3A_566 : memref<16x128xf32, #tpu.memory_space<vmem>>) target_semaphore(%arg12 : memref<!tpu.dma_semaphore, #tpu.memory_space<semaphore_mem>>)
      %dma_wait3A = arith.constant 0 : i32
      %dma_wait3A_569 = arith.constant 0 : i32
      %dma_wait3A_570 = arith.constant 0 : i32
      %dma_wait3A_571 = tpu.memref_slice %arg9[%dma_wait3A, %dma_wait3A_569, %dma_wait3A_570] : memref<16x16x128xf32, #tpu.memory_space<vmem>> -> memref<1x16x128xf32, #tpu.memory_space<vmem>>
      %dma_wait3A_572 = tpu.memref_squeeze %dma_wait3A_571 : memref<1x16x128xf32, #tpu.memory_space<vmem>> -> memref<16x128xf32, #tpu.memory_space<vmem>>
      %dma_wait3A_573 = arith.constant 0 : i32
      %dma_wait3A_574 = tpu.memref_slice %arg4[%dma_wait3A_573, %multiple_of3A] : memref<16x1000000xf32, #tpu.memory_space<hbm>> -> memref<16x128xf32, #tpu.memory_space<hbm>>
      %dma_wait3A_575 = arith.constant 0 : i32
      %dma_wait3A_576 = arith.constant 0 : i32
      %dma_wait3A_577 = tpu.memref_slice %arg9[%dma_wait3A, %dma_wait3A_575, %dma_wait3A_576] : memref<16x16x128xf32, #tpu.memory_space<vmem>> -> memref<1x16x128xf32, #tpu.memory_space<vmem>>
      %dma_wait3A_578 = tpu.memref_squeeze %dma_wait3A_577 : memref<1x16x128xf32, #tpu.memory_space<vmem>> -> memref<16x128xf32, #tpu.memory_space<vmem>>
      %dma_wait3A_579 = arith.constant 0 : i32
      %dma_wait3A_580 = tpu.memref_slice %arg4[%dma_wait3A_579, %multiple_of3A] : memref<16x1000000xf32, #tpu.memory_space<hbm>> -> memref<16x128xf32, #tpu.memory_space<hbm>>
      tpu.wait_dma2 semaphore(%arg12 : memref<!tpu.dma_semaphore, #tpu.memory_space<semaphore_mem>>) src(%dma_wait3A_580 : memref<16x128xf32, #tpu.memory_space<hbm>>) dst(%dma_wait3A_578 : memref<16x128xf32, #tpu.memory_space<vmem>>)
      %dma_wait3A_581 = arith.constant 0 : i32
      %dma_wait3A_582 = arith.constant 0 : i32
      %dma_wait3A_583 = arith.constant 0 : i32
      %dma_wait3A_584 = tpu.memref_slice %arg10[%dma_wait3A_581, %dma_wait3A_582, %dma_wait3A_583] : memref<16x16x128xf32, #tpu.memory_space<vmem>> -> memref<1x16x128xf32, #tpu.memory_space<vmem>>
      %dma_wait3A_585 = tpu.memref_squeeze %dma_wait3A_584 : memref<1x16x128xf32, #tpu.memory_space<vmem>> -> memref<16x128xf32, #tpu.memory_space<vmem>>
      %dma_wait3A_586 = arith.constant 0 : i32
      %dma_wait3A_587 = tpu.memref_slice %arg5[%dma_wait3A_586, %multiple_of3A_63] : memref<16x1000000xf32, #tpu.memory_space<hbm>> -> memref<16x128xf32, #tpu.memory_space<hbm>>
      %dma_wait3A_588 = arith.constant 0 : i32
      %dma_wait3A_589 = arith.constant 0 : i32
      %dma_wait3A_590 = tpu.memref_slice %arg10[%dma_wait3A_581, %dma_wait3A_588, %dma_wait3A_589] : memref<16x16x128xf32, #tpu.memory_space<vmem>> -> memref<1x16x128xf32, #tpu.memory_space<vmem>>
      %dma_wait3A_591 = tpu.memref_squeeze %dma_wait3A_590 : memref<1x16x128xf32, #tpu.memory_space<vmem>> -> memref<16x128xf32, #tpu.memory_space<vmem>>
      %dma_wait3A_592 = arith.constant 0 : i32
      %dma_wait3A_593 = tpu.memref_slice %arg5[%dma_wait3A_592, %multiple_of3A_63] : memref<16x1000000xf32, #tpu.memory_space<hbm>> -> memref<16x128xf32, #tpu.memory_space<hbm>>
      tpu.wait_dma2 semaphore(%arg12 : memref<!tpu.dma_semaphore, #tpu.memory_space<semaphore_mem>>) src(%dma_wait3A_593 : memref<16x128xf32, #tpu.memory_space<hbm>>) dst(%dma_wait3A_591 : memref<16x128xf32, #tpu.memory_space<vmem>>)
      %dma_wait3A_594 = arith.constant 1 : i32
      %dma_wait3A_595 = arith.constant 0 : i32
      %dma_wait3A_596 = arith.constant 0 : i32
      %dma_wait3A_597 = tpu.memref_slice %arg9[%dma_wait3A_594, %dma_wait3A_595, %dma_wait3A_596] : memref<16x16x128xf32, #tpu.memory_space<vmem>> -> memref<1x16x128xf32, #tpu.memory_space<vmem>>
      %dma_wait3A_598 = tpu.memref_squeeze %dma_wait3A_597 : memref<1x16x128xf32, #tpu.memory_space<vmem>> -> memref<16x128xf32, #tpu.memory_space<vmem>>
      %dma_wait3A_599 = arith.constant 0 : i32
      %dma_wait3A_600 = tpu.memref_slice %arg4[%dma_wait3A_599, %multiple_of3A_91] : memref<16x1000000xf32, #tpu.memory_space<hbm>> -> memref<16x128xf32, #tpu.memory_space<hbm>>
      %dma_wait3A_601 = arith.constant 0 : i32
      %dma_wait3A_602 = arith.constant 0 : i32
      %dma_wait3A_603 = tpu.memref_slice %arg9[%dma_wait3A_594, %dma_wait3A_601, %dma_wait3A_602] : memref<16x16x128xf32, #tpu.memory_space<vmem>> -> memref<1x16x128xf32, #tpu.memory_space<vmem>>
      %dma_wait3A_604 = tpu.memref_squeeze %dma_wait3A_603 : memref<1x16x128xf32, #tpu.memory_space<vmem>> -> memref<16x128xf32, #tpu.memory_space<vmem>>
      %dma_wait3A_605 = arith.constant 0 : i32
      %dma_wait3A_606 = tpu.memref_slice %arg4[%dma_wait3A_605, %multiple_of3A_91] : memref<16x1000000xf32, #tpu.memory_space<hbm>> -> memref<16x128xf32, #tpu.memory_space<hbm>>
      tpu.wait_dma2 semaphore(%arg12 : memref<!tpu.dma_semaphore, #tpu.memory_space<semaphore_mem>>) src(%dma_wait3A_606 : memref<16x128xf32, #tpu.memory_space<hbm>>) dst(%dma_wait3A_604 : memref<16x128xf32, #tpu.memory_space<vmem>>)
      %dma_wait3A_607 = arith.constant 1 : i32
      %dma_wait3A_608 = arith.constant 0 : i32
      %dma_wait3A_609 = arith.constant 0 : i32
      %dma_wait3A_610 = tpu.memref_slice %arg10[%dma_wait3A_607, %dma_wait3A_608, %dma_wait3A_609] : memref<16x16x128xf32, #tpu.memory_space<vmem>> -> memref<1x16x128xf32, #tpu.memory_space<vmem>>
      %dma_wait3A_611 = tpu.memref_squeeze %dma_wait3A_610 : memref<1x16x128xf32, #tpu.memory_space<vmem>> -> memref<16x128xf32, #tpu.memory_space<vmem>>
      %dma_wait3A_612 = arith.constant 0 : i32
      %dma_wait3A_613 = tpu.memref_slice %arg5[%dma_wait3A_612, %multiple_of3A_94] : memref<16x1000000xf32, #tpu.memory_space<hbm>> -> memref<16x128xf32, #tpu.memory_space<hbm>>
      %dma_wait3A_614 = arith.constant 0 : i32
      %dma_wait3A_615 = arith.constant 0 : i32
      %dma_wait3A_616 = tpu.memref_slice %arg10[%dma_wait3A_607, %dma_wait3A_614, %dma_wait3A_615] : memref<16x16x128xf32, #tpu.memory_space<vmem>> -> memref<1x16x128xf32, #tpu.memory_space<vmem>>
      %dma_wait3A_617 = tpu.memref_squeeze %dma_wait3A_616 : memref<1x16x128xf32, #tpu.memory_space<vmem>> -> memref<16x128xf32, #tpu.memory_space<vmem>>
      %dma_wait3A_618 = arith.constant 0 : i32
      %dma_wait3A_619 = tpu.memref_slice %arg5[%dma_wait3A_618, %multiple_of3A_94] : memref<16x1000000xf32, #tpu.memory_space<hbm>> -> memref<16x128xf32, #tpu.memory_space<hbm>>
      tpu.wait_dma2 semaphore(%arg12 : memref<!tpu.dma_semaphore, #tpu.memory_space<semaphore_mem>>) src(%dma_wait3A_619 : memref<16x128xf32, #tpu.memory_space<hbm>>) dst(%dma_wait3A_617 : memref<16x128xf32, #tpu.memory_space<vmem>>)
      %dma_wait3A_620 = arith.constant 2 : i32
      %dma_wait3A_621 = arith.constant 0 : i32
      %dma_wait3A_622 = arith.constant 0 : i32
      %dma_wait3A_623 = tpu.memref_slice %arg9[%dma_wait3A_620, %dma_wait3A_621, %dma_wait3A_622] : memref<16x16x128xf32, #tpu.memory_space<vmem>> -> memref<1x16x128xf32, #tpu.memory_space<vmem>>
      %dma_wait3A_624 = tpu.memref_squeeze %dma_wait3A_623 : memref<1x16x128xf32, #tpu.memory_space<vmem>> -> memref<16x128xf32, #tpu.memory_space<vmem>>
      %dma_wait3A_625 = arith.constant 0 : i32
      %dma_wait3A_626 = tpu.memref_slice %arg4[%dma_wait3A_625, %multiple_of3A_123] : memref<16x1000000xf32, #tpu.memory_space<hbm>> -> memref<16x128xf32, #tpu.memory_space<hbm>>
      %dma_wait3A_627 = arith.constant 0 : i32
      %dma_wait3A_628 = arith.constant 0 : i32
      %dma_wait3A_629 = tpu.memref_slice %arg9[%dma_wait3A_620, %dma_wait3A_627, %dma_wait3A_628] : memref<16x16x128xf32, #tpu.memory_space<vmem>> -> memref<1x16x128xf32, #tpu.memory_space<vmem>>
      %dma_wait3A_630 = tpu.memref_squeeze %dma_wait3A_629 : memref<1x16x128xf32, #tpu.memory_space<vmem>> -> memref<16x128xf32, #tpu.memory_space<vmem>>
      %dma_wait3A_631 = arith.constant 0 : i32
      %dma_wait3A_632 = tpu.memref_slice %arg4[%dma_wait3A_631, %multiple_of3A_123] : memref<16x1000000xf32, #tpu.memory_space<hbm>> -> memref<16x128xf32, #tpu.memory_space<hbm>>
      tpu.wait_dma2 semaphore(%arg12 : memref<!tpu.dma_semaphore, #tpu.memory_space<semaphore_mem>>) src(%dma_wait3A_632 : memref<16x128xf32, #tpu.memory_space<hbm>>) dst(%dma_wait3A_630 : memref<16x128xf32, #tpu.memory_space<vmem>>)
      %dma_wait3A_633 = arith.constant 2 : i32
      %dma_wait3A_634 = arith.constant 0 : i32
      %dma_wait3A_635 = arith.constant 0 : i32
      %dma_wait3A_636 = tpu.memref_slice %arg10[%dma_wait3A_633, %dma_wait3A_634, %dma_wait3A_635] : memref<16x16x128xf32, #tpu.memory_space<vmem>> -> memref<1x16x128xf32, #tpu.memory_space<vmem>>
      %dma_wait3A_637 = tpu.memref_squeeze %dma_wait3A_636 : memref<1x16x128xf32, #tpu.memory_space<vmem>> -> memref<16x128xf32, #tpu.memory_space<vmem>>
      %dma_wait3A_638 = arith.constant 0 : i32
      %dma_wait3A_639 = tpu.memref_slice %arg5[%dma_wait3A_638, %multiple_of3A_126] : memref<16x1000000xf32, #tpu.memory_space<hbm>> -> memref<16x128xf32, #tpu.memory_space<hbm>>
      %dma_wait3A_640 = arith.constant 0 : i32
      %dma_wait3A_641 = arith.constant 0 : i32
      %dma_wait3A_642 = tpu.memref_slice %arg10[%dma_wait3A_633, %dma_wait3A_640, %dma_wait3A_641] : memref<16x16x128xf32, #tpu.memory_space<vmem>> -> memref<1x16x128xf32, #tpu.memory_space<vmem>>
      %dma_wait3A_643 = tpu.memref_squeeze %dma_wait3A_642 : memref<1x16x128xf32, #tpu.memory_space<vmem>> -> memref<16x128xf32, #tpu.memory_space<vmem>>
      %dma_wait3A_644 = arith.constant 0 : i32
      %dma_wait3A_645 = tpu.memref_slice %arg5[%dma_wait3A_644, %multiple_of3A_126] : memref<16x1000000xf32, #tpu.memory_space<hbm>> -> memref<16x128xf32, #tpu.memory_space<hbm>>
      tpu.wait_dma2 semaphore(%arg12 : memref<!tpu.dma_semaphore, #tpu.memory_space<semaphore_mem>>) src(%dma_wait3A_645 : memref<16x128xf32, #tpu.memory_space<hbm>>) dst(%dma_wait3A_643 : memref<16x128xf32, #tpu.memory_space<vmem>>)
      %dma_wait3A_646 = arith.constant 3 : i32
      %dma_wait3A_647 = arith.constant 0 : i32
      %dma_wait3A_648 = arith.constant 0 : i32
      %dma_wait3A_649 = tpu.memref_slice %arg9[%dma_wait3A_646, %dma_wait3A_647, %dma_wait3A_648] : memref<16x16x128xf32, #tpu.memory_space<vmem>> -> memref<1x16x128xf32, #tpu.memory_space<vmem>>
      %dma_wait3A_650 = tpu.memref_squeeze %dma_wait3A_649 : memref<1x16x128xf32, #tpu.memory_space<vmem>> -> memref<16x128xf32, #tpu.memory_space<vmem>>
      %dma_wait3A_651 = arith.constant 0 : i32
      %dma_wait3A_652 = tpu.memref_slice %arg4[%dma_wait3A_651, %multiple_of3A_155] : memref<16x1000000xf32, #tpu.memory_space<hbm>> -> memref<16x128xf32, #tpu.memory_space<hbm>>
      %dma_wait3A_653 = arith.constant 0 : i32
      %dma_wait3A_654 = arith.constant 0 : i32
      %dma_wait3A_655 = tpu.memref_slice %arg9[%dma_wait3A_646, %dma_wait3A_653, %dma_wait3A_654] : memref<16x16x128xf32, #tpu.memory_space<vmem>> -> memref<1x16x128xf32, #tpu.memory_space<vmem>>
      %dma_wait3A_656 = tpu.memref_squeeze %dma_wait3A_655 : memref<1x16x128xf32, #tpu.memory_space<vmem>> -> memref<16x128xf32, #tpu.memory_space<vmem>>
      %dma_wait3A_657 = arith.constant 0 : i32
      %dma_wait3A_658 = tpu.memref_slice %arg4[%dma_wait3A_657, %multiple_of3A_155] : memref<16x1000000xf32, #tpu.memory_space<hbm>> -> memref<16x128xf32, #tpu.memory_space<hbm>>
      tpu.wait_dma2 semaphore(%arg12 : memref<!tpu.dma_semaphore, #tpu.memory_space<semaphore_mem>>) src(%dma_wait3A_658 : memref<16x128xf32, #tpu.memory_space<hbm>>) dst(%dma_wait3A_656 : memref<16x128xf32, #tpu.memory_space<vmem>>)
      %dma_wait3A_659 = arith.constant 3 : i32
      %dma_wait3A_660 = arith.constant 0 : i32
      %dma_wait3A_661 = arith.constant 0 : i32
      %dma_wait3A_662 = tpu.memref_slice %arg10[%dma_wait3A_659, %dma_wait3A_660, %dma_wait3A_661] : memref<16x16x128xf32, #tpu.memory_space<vmem>> -> memref<1x16x128xf32, #tpu.memory_space<vmem>>
      %dma_wait3A_663 = tpu.memref_squeeze %dma_wait3A_662 : memref<1x16x128xf32, #tpu.memory_space<vmem>> -> memref<16x128xf32, #tpu.memory_space<vmem>>
      %dma_wait3A_664 = arith.constant 0 : i32
      %dma_wait3A_665 = tpu.memref_slice %arg5[%dma_wait3A_664, %multiple_of3A_158] : memref<16x1000000xf32, #tpu.memory_space<hbm>> -> memref<16x128xf32, #tpu.memory_space<hbm>>
      %dma_wait3A_666 = arith.constant 0 : i32
      %dma_wait3A_667 = arith.constant 0 : i32
      %dma_wait3A_668 = tpu.memref_slice %arg10[%dma_wait3A_659, %dma_wait3A_666, %dma_wait3A_667] : memref<16x16x128xf32, #tpu.memory_space<vmem>> -> memref<1x16x128xf32, #tpu.memory_space<vmem>>
      %dma_wait3A_669 = tpu.memref_squeeze %dma_wait3A_668 : memref<1x16x128xf32, #tpu.memory_space<vmem>> -> memref<16x128xf32, #tpu.memory_space<vmem>>
      %dma_wait3A_670 = arith.constant 0 : i32
      %dma_wait3A_671 = tpu.memref_slice %arg5[%dma_wait3A_670, %multiple_of3A_158] : memref<16x1000000xf32, #tpu.memory_space<hbm>> -> memref<16x128xf32, #tpu.memory_space<hbm>>
      tpu.wait_dma2 semaphore(%arg12 : memref<!tpu.dma_semaphore, #tpu.memory_space<semaphore_mem>>) src(%dma_wait3A_671 : memref<16x128xf32, #tpu.memory_space<hbm>>) dst(%dma_wait3A_669 : memref<16x128xf32, #tpu.memory_space<vmem>>)
      %dma_wait3A_672 = arith.constant 4 : i32
      %dma_wait3A_673 = arith.constant 0 : i32
      %dma_wait3A_674 = arith.constant 0 : i32
      %dma_wait3A_675 = tpu.memref_slice %arg9[%dma_wait3A_672, %dma_wait3A_673, %dma_wait3A_674] : memref<16x16x128xf32, #tpu.memory_space<vmem>> -> memref<1x16x128xf32, #tpu.memory_space<vmem>>
      %dma_wait3A_676 = tpu.memref_squeeze %dma_wait3A_675 : memref<1x16x128xf32, #tpu.memory_space<vmem>> -> memref<16x128xf32, #tpu.memory_space<vmem>>
      %dma_wait3A_677 = arith.constant 0 : i32
      %dma_wait3A_678 = tpu.memref_slice %arg4[%dma_wait3A_677, %multiple_of3A_187] : memref<16x1000000xf32, #tpu.memory_space<hbm>> -> memref<16x128xf32, #tpu.memory_space<hbm>>
      %dma_wait3A_679 = arith.constant 0 : i32
      %dma_wait3A_680 = arith.constant 0 : i32
      %dma_wait3A_681 = tpu.memref_slice %arg9[%dma_wait3A_672, %dma_wait3A_679, %dma_wait3A_680] : memref<16x16x128xf32, #tpu.memory_space<vmem>> -> memref<1x16x128xf32, #tpu.memory_space<vmem>>
      %dma_wait3A_682 = tpu.memref_squeeze %dma_wait3A_681 : memref<1x16x128xf32, #tpu.memory_space<vmem>> -> memref<16x128xf32, #tpu.memory_space<vmem>>
      %dma_wait3A_683 = arith.constant 0 : i32
      %dma_wait3A_684 = tpu.memref_slice %arg4[%dma_wait3A_683, %multiple_of3A_187] : memref<16x1000000xf32, #tpu.memory_space<hbm>> -> memref<16x128xf32, #tpu.memory_space<hbm>>
      tpu.wait_dma2 semaphore(%arg12 : memref<!tpu.dma_semaphore, #tpu.memory_space<semaphore_mem>>) src(%dma_wait3A_684 : memref<16x128xf32, #tpu.memory_space<hbm>>) dst(%dma_wait3A_682 : memref<16x128xf32, #tpu.memory_space<vmem>>)
      %dma_wait3A_685 = arith.constant 4 : i32
      %dma_wait3A_686 = arith.constant 0 : i32
      %dma_wait3A_687 = arith.constant 0 : i32
      %dma_wait3A_688 = tpu.memref_slice %arg10[%dma_wait3A_685, %dma_wait3A_686, %dma_wait3A_687] : memref<16x16x128xf32, #tpu.memory_space<vmem>> -> memref<1x16x128xf32, #tpu.memory_space<vmem>>
      %dma_wait3A_689 = tpu.memref_squeeze %dma_wait3A_688 : memref<1x16x128xf32, #tpu.memory_space<vmem>> -> memref<16x128xf32, #tpu.memory_space<vmem>>
      %dma_wait3A_690 = arith.constant 0 : i32
      %dma_wait3A_691 = tpu.memref_slice %arg5[%dma_wait3A_690, %multiple_of3A_190] : memref<16x1000000xf32, #tpu.memory_space<hbm>> -> memref<16x128xf32, #tpu.memory_space<hbm>>
      %dma_wait3A_692 = arith.constant 0 : i32
      %dma_wait3A_693 = arith.constant 0 : i32
      %dma_wait3A_694 = tpu.memref_slice %arg10[%dma_wait3A_685, %dma_wait3A_692, %dma_wait3A_693] : memref<16x16x128xf32, #tpu.memory_space<vmem>> -> memref<1x16x128xf32, #tpu.memory_space<vmem>>
      %dma_wait3A_695 = tpu.memref_squeeze %dma_wait3A_694 : memref<1x16x128xf32, #tpu.memory_space<vmem>> -> memref<16x128xf32, #tpu.memory_space<vmem>>
      %dma_wait3A_696 = arith.constant 0 : i32
      %dma_wait3A_697 = tpu.memref_slice %arg5[%dma_wait3A_696, %multiple_of3A_190] : memref<16x1000000xf32, #tpu.memory_space<hbm>> -> memref<16x128xf32, #tpu.memory_space<hbm>>
      tpu.wait_dma2 semaphore(%arg12 : memref<!tpu.dma_semaphore, #tpu.memory_space<semaphore_mem>>) src(%dma_wait3A_697 : memref<16x128xf32, #tpu.memory_space<hbm>>) dst(%dma_wait3A_695 : memref<16x128xf32, #tpu.memory_space<vmem>>)
      %dma_wait3A_698 = arith.constant 5 : i32
      %dma_wait3A_699 = arith.constant 0 : i32
      %dma_wait3A_700 = arith.constant 0 : i32
      %dma_wait3A_701 = tpu.memref_slice %arg9[%dma_wait3A_698, %dma_wait3A_699, %dma_wait3A_700] : memref<16x16x128xf32, #tpu.memory_space<vmem>> -> memref<1x16x128xf32, #tpu.memory_space<vmem>>
      %dma_wait3A_702 = tpu.memref_squeeze %dma_wait3A_701 : memref<1x16x128xf32, #tpu.memory_space<vmem>> -> memref<16x128xf32, #tpu.memory_space<vmem>>
      %dma_wait3A_703 = arith.constant 0 : i32
      %dma_wait3A_704 = tpu.memref_slice %arg4[%dma_wait3A_703, %multiple_of3A_219] : memref<16x1000000xf32, #tpu.memory_space<hbm>> -> memref<16x128xf32, #tpu.memory_space<hbm>>
      %dma_wait3A_705 = arith.constant 0 : i32
      %dma_wait3A_706 = arith.constant 0 : i32
      %dma_wait3A_707 = tpu.memref_slice %arg9[%dma_wait3A_698, %dma_wait3A_705, %dma_wait3A_706] : memref<16x16x128xf32, #tpu.memory_space<vmem>> -> memref<1x16x128xf32, #tpu.memory_space<vmem>>
      %dma_wait3A_708 = tpu.memref_squeeze %dma_wait3A_707 : memref<1x16x128xf32, #tpu.memory_space<vmem>> -> memref<16x128xf32, #tpu.memory_space<vmem>>
      %dma_wait3A_709 = arith.constant 0 : i32
      %dma_wait3A_710 = tpu.memref_slice %arg4[%dma_wait3A_709, %multiple_of3A_219] : memref<16x1000000xf32, #tpu.memory_space<hbm>> -> memref<16x128xf32, #tpu.memory_space<hbm>>
      tpu.wait_dma2 semaphore(%arg12 : memref<!tpu.dma_semaphore, #tpu.memory_space<semaphore_mem>>) src(%dma_wait3A_710 : memref<16x128xf32, #tpu.memory_space<hbm>>) dst(%dma_wait3A_708 : memref<16x128xf32, #tpu.memory_space<vmem>>)
      %dma_wait3A_711 = arith.constant 5 : i32
      %dma_wait3A_712 = arith.constant 0 : i32
      %dma_wait3A_713 = arith.constant 0 : i32
      %dma_wait3A_714 = tpu.memref_slice %arg10[%dma_wait3A_711, %dma_wait3A_712, %dma_wait3A_713] : memref<16x16x128xf32, #tpu.memory_space<vmem>> -> memref<1x16x128xf32, #tpu.memory_space<vmem>>
      %dma_wait3A_715 = tpu.memref_squeeze %dma_wait3A_714 : memref<1x16x128xf32, #tpu.memory_space<vmem>> -> memref<16x128xf32, #tpu.memory_space<vmem>>
      %dma_wait3A_716 = arith.constant 0 : i32
      %dma_wait3A_717 = tpu.memref_slice %arg5[%dma_wait3A_716, %multiple_of3A_222] : memref<16x1000000xf32, #tpu.memory_space<hbm>> -> memref<16x128xf32, #tpu.memory_space<hbm>>
      %dma_wait3A_718 = arith.constant 0 : i32
      %dma_wait3A_719 = arith.constant 0 : i32
      %dma_wait3A_720 = tpu.memref_slice %arg10[%dma_wait3A_711, %dma_wait3A_718, %dma_wait3A_719] : memref<16x16x128xf32, #tpu.memory_space<vmem>> -> memref<1x16x128xf32, #tpu.memory_space<vmem>>
      %dma_wait3A_721 = tpu.memref_squeeze %dma_wait3A_720 : memref<1x16x128xf32, #tpu.memory_space<vmem>> -> memref<16x128xf32, #tpu.memory_space<vmem>>
      %dma_wait3A_722 = arith.constant 0 : i32
      %dma_wait3A_723 = tpu.memref_slice %arg5[%dma_wait3A_722, %multiple_of3A_222] : memref<16x1000000xf32, #tpu.memory_space<hbm>> -> memref<16x128xf32, #tpu.memory_space<hbm>>
      tpu.wait_dma2 semaphore(%arg12 : memref<!tpu.dma_semaphore, #tpu.memory_space<semaphore_mem>>) src(%dma_wait3A_723 : memref<16x128xf32, #tpu.memory_space<hbm>>) dst(%dma_wait3A_721 : memref<16x128xf32, #tpu.memory_space<vmem>>)
      %dma_wait3A_724 = arith.constant 6 : i32
      %dma_wait3A_725 = arith.constant 0 : i32
      %dma_wait3A_726 = arith.constant 0 : i32
      %dma_wait3A_727 = tpu.memref_slice %arg9[%dma_wait3A_724, %dma_wait3A_725, %dma_wait3A_726] : memref<16x16x128xf32, #tpu.memory_space<vmem>> -> memref<1x16x128xf32, #tpu.memory_space<vmem>>
      %dma_wait3A_728 = tpu.memref_squeeze %dma_wait3A_727 : memref<1x16x128xf32, #tpu.memory_space<vmem>> -> memref<16x128xf32, #tpu.memory_space<vmem>>
      %dma_wait3A_729 = arith.constant 0 : i32
      %dma_wait3A_730 = tpu.memref_slice %arg4[%dma_wait3A_729, %multiple_of3A_251] : memref<16x1000000xf32, #tpu.memory_space<hbm>> -> memref<16x128xf32, #tpu.memory_space<hbm>>
      %dma_wait3A_731 = arith.constant 0 : i32
      %dma_wait3A_732 = arith.constant 0 : i32
      %dma_wait3A_733 = tpu.memref_slice %arg9[%dma_wait3A_724, %dma_wait3A_731, %dma_wait3A_732] : memref<16x16x128xf32, #tpu.memory_space<vmem>> -> memref<1x16x128xf32, #tpu.memory_space<vmem>>
      %dma_wait3A_734 = tpu.memref_squeeze %dma_wait3A_733 : memref<1x16x128xf32, #tpu.memory_space<vmem>> -> memref<16x128xf32, #tpu.memory_space<vmem>>
      %dma_wait3A_735 = arith.constant 0 : i32
      %dma_wait3A_736 = tpu.memref_slice %arg4[%dma_wait3A_735, %multiple_of3A_251] : memref<16x1000000xf32, #tpu.memory_space<hbm>> -> memref<16x128xf32, #tpu.memory_space<hbm>>
      tpu.wait_dma2 semaphore(%arg12 : memref<!tpu.dma_semaphore, #tpu.memory_space<semaphore_mem>>) src(%dma_wait3A_736 : memref<16x128xf32, #tpu.memory_space<hbm>>) dst(%dma_wait3A_734 : memref<16x128xf32, #tpu.memory_space<vmem>>)
      %dma_wait3A_737 = arith.constant 6 : i32
      %dma_wait3A_738 = arith.constant 0 : i32
      %dma_wait3A_739 = arith.constant 0 : i32
      %dma_wait3A_740 = tpu.memref_slice %arg10[%dma_wait3A_737, %dma_wait3A_738, %dma_wait3A_739] : memref<16x16x128xf32, #tpu.memory_space<vmem>> -> memref<1x16x128xf32, #tpu.memory_space<vmem>>
      %dma_wait3A_741 = tpu.memref_squeeze %dma_wait3A_740 : memref<1x16x128xf32, #tpu.memory_space<vmem>> -> memref<16x128xf32, #tpu.memory_space<vmem>>
      %dma_wait3A_742 = arith.constant 0 : i32
      %dma_wait3A_743 = tpu.memref_slice %arg5[%dma_wait3A_742, %multiple_of3A_254] : memref<16x1000000xf32, #tpu.memory_space<hbm>> -> memref<16x128xf32, #tpu.memory_space<hbm>>
      %dma_wait3A_744 = arith.constant 0 : i32
      %dma_wait3A_745 = arith.constant 0 : i32
      %dma_wait3A_746 = tpu.memref_slice %arg10[%dma_wait3A_737, %dma_wait3A_744, %dma_wait3A_745] : memref<16x16x128xf32, #tpu.memory_space<vmem>> -> memref<1x16x128xf32, #tpu.memory_space<vmem>>
      %dma_wait3A_747 = tpu.memref_squeeze %dma_wait3A_746 : memref<1x16x128xf32, #tpu.memory_space<vmem>> -> memref<16x128xf32, #tpu.memory_space<vmem>>
      %dma_wait3A_748 = arith.constant 0 : i32
      %dma_wait3A_749 = tpu.memref_slice %arg5[%dma_wait3A_748, %multiple_of3A_254] : memref<16x1000000xf32, #tpu.memory_space<hbm>> -> memref<16x128xf32, #tpu.memory_space<hbm>>
      tpu.wait_dma2 semaphore(%arg12 : memref<!tpu.dma_semaphore, #tpu.memory_space<semaphore_mem>>) src(%dma_wait3A_749 : memref<16x128xf32, #tpu.memory_space<hbm>>) dst(%dma_wait3A_747 : memref<16x128xf32, #tpu.memory_space<vmem>>)
      %dma_wait3A_750 = arith.constant 7 : i32
      %dma_wait3A_751 = arith.constant 0 : i32
      %dma_wait3A_752 = arith.constant 0 : i32
      %dma_wait3A_753 = tpu.memref_slice %arg9[%dma_wait3A_750, %dma_wait3A_751, %dma_wait3A_752] : memref<16x16x128xf32, #tpu.memory_space<vmem>> -> memref<1x16x128xf32, #tpu.memory_space<vmem>>
      %dma_wait3A_754 = tpu.memref_squeeze %dma_wait3A_753 : memref<1x16x128xf32, #tpu.memory_space<vmem>> -> memref<16x128xf32, #tpu.memory_space<vmem>>
      %dma_wait3A_755 = arith.constant 0 : i32
      %dma_wait3A_756 = tpu.memref_slice %arg4[%dma_wait3A_755, %multiple_of3A_283] : memref<16x1000000xf32, #tpu.memory_space<hbm>> -> memref<16x128xf32, #tpu.memory_space<hbm>>
      %dma_wait3A_757 = arith.constant 0 : i32
      %dma_wait3A_758 = arith.constant 0 : i32
      %dma_wait3A_759 = tpu.memref_slice %arg9[%dma_wait3A_750, %dma_wait3A_757, %dma_wait3A_758] : memref<16x16x128xf32, #tpu.memory_space<vmem>> -> memref<1x16x128xf32, #tpu.memory_space<vmem>>
      %dma_wait3A_760 = tpu.memref_squeeze %dma_wait3A_759 : memref<1x16x128xf32, #tpu.memory_space<vmem>> -> memref<16x128xf32, #tpu.memory_space<vmem>>
      %dma_wait3A_761 = arith.constant 0 : i32
      %dma_wait3A_762 = tpu.memref_slice %arg4[%dma_wait3A_761, %multiple_of3A_283] : memref<16x1000000xf32, #tpu.memory_space<hbm>> -> memref<16x128xf32, #tpu.memory_space<hbm>>
      tpu.wait_dma2 semaphore(%arg12 : memref<!tpu.dma_semaphore, #tpu.memory_space<semaphore_mem>>) src(%dma_wait3A_762 : memref<16x128xf32, #tpu.memory_space<hbm>>) dst(%dma_wait3A_760 : memref<16x128xf32, #tpu.memory_space<vmem>>)
      %dma_wait3A_763 = arith.constant 7 : i32
      %dma_wait3A_764 = arith.constant 0 : i32
      %dma_wait3A_765 = arith.constant 0 : i32
      %dma_wait3A_766 = tpu.memref_slice %arg10[%dma_wait3A_763, %dma_wait3A_764, %dma_wait3A_765] : memref<16x16x128xf32, #tpu.memory_space<vmem>> -> memref<1x16x128xf32, #tpu.memory_space<vmem>>
      %dma_wait3A_767 = tpu.memref_squeeze %dma_wait3A_766 : memref<1x16x128xf32, #tpu.memory_space<vmem>> -> memref<16x128xf32, #tpu.memory_space<vmem>>
      %dma_wait3A_768 = arith.constant 0 : i32
      %dma_wait3A_769 = tpu.memref_slice %arg5[%dma_wait3A_768, %multiple_of3A_286] : memref<16x1000000xf32, #tpu.memory_space<hbm>> -> memref<16x128xf32, #tpu.memory_space<hbm>>
      %dma_wait3A_770 = arith.constant 0 : i32
      %dma_wait3A_771 = arith.constant 0 : i32
      %dma_wait3A_772 = tpu.memref_slice %arg10[%dma_wait3A_763, %dma_wait3A_770, %dma_wait3A_771] : memref<16x16x128xf32, #tpu.memory_space<vmem>> -> memref<1x16x128xf32, #tpu.memory_space<vmem>>
      %dma_wait3A_773 = tpu.memref_squeeze %dma_wait3A_772 : memref<1x16x128xf32, #tpu.memory_space<vmem>> -> memref<16x128xf32, #tpu.memory_space<vmem>>
      %dma_wait3A_774 = arith.constant 0 : i32
      %dma_wait3A_775 = tpu.memref_slice %arg5[%dma_wait3A_774, %multiple_of3A_286] : memref<16x1000000xf32, #tpu.memory_space<hbm>> -> memref<16x128xf32, #tpu.memory_space<hbm>>
      tpu.wait_dma2 semaphore(%arg12 : memref<!tpu.dma_semaphore, #tpu.memory_space<semaphore_mem>>) src(%dma_wait3A_775 : memref<16x128xf32, #tpu.memory_space<hbm>>) dst(%dma_wait3A_773 : memref<16x128xf32, #tpu.memory_space<vmem>>)
      %dma_wait3A_776 = arith.constant 8 : i32
      %dma_wait3A_777 = arith.constant 0 : i32
      %dma_wait3A_778 = arith.constant 0 : i32
      %dma_wait3A_779 = tpu.memref_slice %arg9[%dma_wait3A_776, %dma_wait3A_777, %dma_wait3A_778] : memref<16x16x128xf32, #tpu.memory_space<vmem>> -> memref<1x16x128xf32, #tpu.memory_space<vmem>>
      %dma_wait3A_780 = tpu.memref_squeeze %dma_wait3A_779 : memref<1x16x128xf32, #tpu.memory_space<vmem>> -> memref<16x128xf32, #tpu.memory_space<vmem>>
      %dma_wait3A_781 = arith.constant 0 : i32
      %dma_wait3A_782 = tpu.memref_slice %arg4[%dma_wait3A_781, %multiple_of3A_315] : memref<16x1000000xf32, #tpu.memory_space<hbm>> -> memref<16x128xf32, #tpu.memory_space<hbm>>
      %dma_wait3A_783 = arith.constant 0 : i32
      %dma_wait3A_784 = arith.constant 0 : i32
      %dma_wait3A_785 = tpu.memref_slice %arg9[%dma_wait3A_776, %dma_wait3A_783, %dma_wait3A_784] : memref<16x16x128xf32, #tpu.memory_space<vmem>> -> memref<1x16x128xf32, #tpu.memory_space<vmem>>
      %dma_wait3A_786 = tpu.memref_squeeze %dma_wait3A_785 : memref<1x16x128xf32, #tpu.memory_space<vmem>> -> memref<16x128xf32, #tpu.memory_space<vmem>>
      %dma_wait3A_787 = arith.constant 0 : i32
      %dma_wait3A_788 = tpu.memref_slice %arg4[%dma_wait3A_787, %multiple_of3A_315] : memref<16x1000000xf32, #tpu.memory_space<hbm>> -> memref<16x128xf32, #tpu.memory_space<hbm>>
      tpu.wait_dma2 semaphore(%arg12 : memref<!tpu.dma_semaphore, #tpu.memory_space<semaphore_mem>>) src(%dma_wait3A_788 : memref<16x128xf32, #tpu.memory_space<hbm>>) dst(%dma_wait3A_786 : memref<16x128xf32, #tpu.memory_space<vmem>>)
      %dma_wait3A_789 = arith.constant 8 : i32
      %dma_wait3A_790 = arith.constant 0 : i32
      %dma_wait3A_791 = arith.constant 0 : i32
      %dma_wait3A_792 = tpu.memref_slice %arg10[%dma_wait3A_789, %dma_wait3A_790, %dma_wait3A_791] : memref<16x16x128xf32, #tpu.memory_space<vmem>> -> memref<1x16x128xf32, #tpu.memory_space<vmem>>
      %dma_wait3A_793 = tpu.memref_squeeze %dma_wait3A_792 : memref<1x16x128xf32, #tpu.memory_space<vmem>> -> memref<16x128xf32, #tpu.memory_space<vmem>>
      %dma_wait3A_794 = arith.constant 0 : i32
      %dma_wait3A_795 = tpu.memref_slice %arg5[%dma_wait3A_794, %multiple_of3A_318] : memref<16x1000000xf32, #tpu.memory_space<hbm>> -> memref<16x128xf32, #tpu.memory_space<hbm>>
      %dma_wait3A_796 = arith.constant 0 : i32
      %dma_wait3A_797 = arith.constant 0 : i32
      %dma_wait3A_798 = tpu.memref_slice %arg10[%dma_wait3A_789, %dma_wait3A_796, %dma_wait3A_797] : memref<16x16x128xf32, #tpu.memory_space<vmem>> -> memref<1x16x128xf32, #tpu.memory_space<vmem>>
      %dma_wait3A_799 = tpu.memref_squeeze %dma_wait3A_798 : memref<1x16x128xf32, #tpu.memory_space<vmem>> -> memref<16x128xf32, #tpu.memory_space<vmem>>
      %dma_wait3A_800 = arith.constant 0 : i32
      %dma_wait3A_801 = tpu.memref_slice %arg5[%dma_wait3A_800, %multiple_of3A_318] : memref<16x1000000xf32, #tpu.memory_space<hbm>> -> memref<16x128xf32, #tpu.memory_space<hbm>>
      tpu.wait_dma2 semaphore(%arg12 : memref<!tpu.dma_semaphore, #tpu.memory_space<semaphore_mem>>) src(%dma_wait3A_801 : memref<16x128xf32, #tpu.memory_space<hbm>>) dst(%dma_wait3A_799 : memref<16x128xf32, #tpu.memory_space<vmem>>)
      %dma_wait3A_802 = arith.constant 9 : i32
      %dma_wait3A_803 = arith.constant 0 : i32
      %dma_wait3A_804 = arith.constant 0 : i32
      %dma_wait3A_805 = tpu.memref_slice %arg9[%dma_wait3A_802, %dma_wait3A_803, %dma_wait3A_804] : memref<16x16x128xf32, #tpu.memory_space<vmem>> -> memref<1x16x128xf32, #tpu.memory_space<vmem>>
      %dma_wait3A_806 = tpu.memref_squeeze %dma_wait3A_805 : memref<1x16x128xf32, #tpu.memory_space<vmem>> -> memref<16x128xf32, #tpu.memory_space<vmem>>
      %dma_wait3A_807 = arith.constant 0 : i32
      %dma_wait3A_808 = tpu.memref_slice %arg4[%dma_wait3A_807, %multiple_of3A_347] : memref<16x1000000xf32, #tpu.memory_space<hbm>> -> memref<16x128xf32, #tpu.memory_space<hbm>>
      %dma_wait3A_809 = arith.constant 0 : i32
      %dma_wait3A_810 = arith.constant 0 : i32
      %dma_wait3A_811 = tpu.memref_slice %arg9[%dma_wait3A_802, %dma_wait3A_809, %dma_wait3A_810] : memref<16x16x128xf32, #tpu.memory_space<vmem>> -> memref<1x16x128xf32, #tpu.memory_space<vmem>>
      %dma_wait3A_812 = tpu.memref_squeeze %dma_wait3A_811 : memref<1x16x128xf32, #tpu.memory_space<vmem>> -> memref<16x128xf32, #tpu.memory_space<vmem>>
      %dma_wait3A_813 = arith.constant 0 : i32
      %dma_wait3A_814 = tpu.memref_slice %arg4[%dma_wait3A_813, %multiple_of3A_347] : memref<16x1000000xf32, #tpu.memory_space<hbm>> -> memref<16x128xf32, #tpu.memory_space<hbm>>
      tpu.wait_dma2 semaphore(%arg12 : memref<!tpu.dma_semaphore, #tpu.memory_space<semaphore_mem>>) src(%dma_wait3A_814 : memref<16x128xf32, #tpu.memory_space<hbm>>) dst(%dma_wait3A_812 : memref<16x128xf32, #tpu.memory_space<vmem>>)
      %dma_wait3A_815 = arith.constant 9 : i32
      %dma_wait3A_816 = arith.constant 0 : i32
      %dma_wait3A_817 = arith.constant 0 : i32
      %dma_wait3A_818 = tpu.memref_slice %arg10[%dma_wait3A_815, %dma_wait3A_816, %dma_wait3A_817] : memref<16x16x128xf32, #tpu.memory_space<vmem>> -> memref<1x16x128xf32, #tpu.memory_space<vmem>>
      %dma_wait3A_819 = tpu.memref_squeeze %dma_wait3A_818 : memref<1x16x128xf32, #tpu.memory_space<vmem>> -> memref<16x128xf32, #tpu.memory_space<vmem>>
      %dma_wait3A_820 = arith.constant 0 : i32
      %dma_wait3A_821 = tpu.memref_slice %arg5[%dma_wait3A_820, %multiple_of3A_350] : memref<16x1000000xf32, #tpu.memory_space<hbm>> -> memref<16x128xf32, #tpu.memory_space<hbm>>
      %dma_wait3A_822 = arith.constant 0 : i32
      %dma_wait3A_823 = arith.constant 0 : i32
      %dma_wait3A_824 = tpu.memref_slice %arg10[%dma_wait3A_815, %dma_wait3A_822, %dma_wait3A_823] : memref<16x16x128xf32, #tpu.memory_space<vmem>> -> memref<1x16x128xf32, #tpu.memory_space<vmem>>
      %dma_wait3A_825 = tpu.memref_squeeze %dma_wait3A_824 : memref<1x16x128xf32, #tpu.memory_space<vmem>> -> memref<16x128xf32, #tpu.memory_space<vmem>>
      %dma_wait3A_826 = arith.constant 0 : i32
      %dma_wait3A_827 = tpu.memref_slice %arg5[%dma_wait3A_826, %multiple_of3A_350] : memref<16x1000000xf32, #tpu.memory_space<hbm>> -> memref<16x128xf32, #tpu.memory_space<hbm>>
      tpu.wait_dma2 semaphore(%arg12 : memref<!tpu.dma_semaphore, #tpu.memory_space<semaphore_mem>>) src(%dma_wait3A_827 : memref<16x128xf32, #tpu.memory_space<hbm>>) dst(%dma_wait3A_825 : memref<16x128xf32, #tpu.memory_space<vmem>>)
      %dma_wait3A_828 = arith.constant 10 : i32
      %dma_wait3A_829 = arith.constant 0 : i32
      %dma_wait3A_830 = arith.constant 0 : i32
      %dma_wait3A_831 = tpu.memref_slice %arg9[%dma_wait3A_828, %dma_wait3A_829, %dma_wait3A_830] : memref<16x16x128xf32, #tpu.memory_space<vmem>> -> memref<1x16x128xf32, #tpu.memory_space<vmem>>
      %dma_wait3A_832 = tpu.memref_squeeze %dma_wait3A_831 : memref<1x16x128xf32, #tpu.memory_space<vmem>> -> memref<16x128xf32, #tpu.memory_space<vmem>>
      %dma_wait3A_833 = arith.constant 0 : i32
      %dma_wait3A_834 = tpu.memref_slice %arg4[%dma_wait3A_833, %multiple_of3A_379] : memref<16x1000000xf32, #tpu.memory_space<hbm>> -> memref<16x128xf32, #tpu.memory_space<hbm>>
      %dma_wait3A_835 = arith.constant 0 : i32
      %dma_wait3A_836 = arith.constant 0 : i32
      %dma_wait3A_837 = tpu.memref_slice %arg9[%dma_wait3A_828, %dma_wait3A_835, %dma_wait3A_836] : memref<16x16x128xf32, #tpu.memory_space<vmem>> -> memref<1x16x128xf32, #tpu.memory_space<vmem>>
      %dma_wait3A_838 = tpu.memref_squeeze %dma_wait3A_837 : memref<1x16x128xf32, #tpu.memory_space<vmem>> -> memref<16x128xf32, #tpu.memory_space<vmem>>
      %dma_wait3A_839 = arith.constant 0 : i32
      %dma_wait3A_840 = tpu.memref_slice %arg4[%dma_wait3A_839, %multiple_of3A_379] : memref<16x1000000xf32, #tpu.memory_space<hbm>> -> memref<16x128xf32, #tpu.memory_space<hbm>>
      tpu.wait_dma2 semaphore(%arg12 : memref<!tpu.dma_semaphore, #tpu.memory_space<semaphore_mem>>) src(%dma_wait3A_840 : memref<16x128xf32, #tpu.memory_space<hbm>>) dst(%dma_wait3A_838 : memref<16x128xf32, #tpu.memory_space<vmem>>)
      %dma_wait3A_841 = arith.constant 10 : i32
      %dma_wait3A_842 = arith.constant 0 : i32
      %dma_wait3A_843 = arith.constant 0 : i32
      %dma_wait3A_844 = tpu.memref_slice %arg10[%dma_wait3A_841, %dma_wait3A_842, %dma_wait3A_843] : memref<16x16x128xf32, #tpu.memory_space<vmem>> -> memref<1x16x128xf32, #tpu.memory_space<vmem>>
      %dma_wait3A_845 = tpu.memref_squeeze %dma_wait3A_844 : memref<1x16x128xf32, #tpu.memory_space<vmem>> -> memref<16x128xf32, #tpu.memory_space<vmem>>
      %dma_wait3A_846 = arith.constant 0 : i32
      %dma_wait3A_847 = tpu.memref_slice %arg5[%dma_wait3A_846, %multiple_of3A_382] : memref<16x1000000xf32, #tpu.memory_space<hbm>> -> memref<16x128xf32, #tpu.memory_space<hbm>>
      %dma_wait3A_848 = arith.constant 0 : i32
      %dma_wait3A_849 = arith.constant 0 : i32
      %dma_wait3A_850 = tpu.memref_slice %arg10[%dma_wait3A_841, %dma_wait3A_848, %dma_wait3A_849] : memref<16x16x128xf32, #tpu.memory_space<vmem>> -> memref<1x16x128xf32, #tpu.memory_space<vmem>>
      %dma_wait3A_851 = tpu.memref_squeeze %dma_wait3A_850 : memref<1x16x128xf32, #tpu.memory_space<vmem>> -> memref<16x128xf32, #tpu.memory_space<vmem>>
      %dma_wait3A_852 = arith.constant 0 : i32
      %dma_wait3A_853 = tpu.memref_slice %arg5[%dma_wait3A_852, %multiple_of3A_382] : memref<16x1000000xf32, #tpu.memory_space<hbm>> -> memref<16x128xf32, #tpu.memory_space<hbm>>
      tpu.wait_dma2 semaphore(%arg12 : memref<!tpu.dma_semaphore, #tpu.memory_space<semaphore_mem>>) src(%dma_wait3A_853 : memref<16x128xf32, #tpu.memory_space<hbm>>) dst(%dma_wait3A_851 : memref<16x128xf32, #tpu.memory_space<vmem>>)
      %dma_wait3A_854 = arith.constant 11 : i32
      %dma_wait3A_855 = arith.constant 0 : i32
      %dma_wait3A_856 = arith.constant 0 : i32
      %dma_wait3A_857 = tpu.memref_slice %arg9[%dma_wait3A_854, %dma_wait3A_855, %dma_wait3A_856] : memref<16x16x128xf32, #tpu.memory_space<vmem>> -> memref<1x16x128xf32, #tpu.memory_space<vmem>>
      %dma_wait3A_858 = tpu.memref_squeeze %dma_wait3A_857 : memref<1x16x128xf32, #tpu.memory_space<vmem>> -> memref<16x128xf32, #tpu.memory_space<vmem>>
      %dma_wait3A_859 = arith.constant 0 : i32
      %dma_wait3A_860 = tpu.memref_slice %arg4[%dma_wait3A_859, %multiple_of3A_411] : memref<16x1000000xf32, #tpu.memory_space<hbm>> -> memref<16x128xf32, #tpu.memory_space<hbm>>
      %dma_wait3A_861 = arith.constant 0 : i32
      %dma_wait3A_862 = arith.constant 0 : i32
      %dma_wait3A_863 = tpu.memref_slice %arg9[%dma_wait3A_854, %dma_wait3A_861, %dma_wait3A_862] : memref<16x16x128xf32, #tpu.memory_space<vmem>> -> memref<1x16x128xf32, #tpu.memory_space<vmem>>
      %dma_wait3A_864 = tpu.memref_squeeze %dma_wait3A_863 : memref<1x16x128xf32, #tpu.memory_space<vmem>> -> memref<16x128xf32, #tpu.memory_space<vmem>>
      %dma_wait3A_865 = arith.constant 0 : i32
      %dma_wait3A_866 = tpu.memref_slice %arg4[%dma_wait3A_865, %multiple_of3A_411] : memref<16x1000000xf32, #tpu.memory_space<hbm>> -> memref<16x128xf32, #tpu.memory_space<hbm>>
      tpu.wait_dma2 semaphore(%arg12 : memref<!tpu.dma_semaphore, #tpu.memory_space<semaphore_mem>>) src(%dma_wait3A_866 : memref<16x128xf32, #tpu.memory_space<hbm>>) dst(%dma_wait3A_864 : memref<16x128xf32, #tpu.memory_space<vmem>>)
      %dma_wait3A_867 = arith.constant 11 : i32
      %dma_wait3A_868 = arith.constant 0 : i32
      %dma_wait3A_869 = arith.constant 0 : i32
      %dma_wait3A_870 = tpu.memref_slice %arg10[%dma_wait3A_867, %dma_wait3A_868, %dma_wait3A_869] : memref<16x16x128xf32, #tpu.memory_space<vmem>> -> memref<1x16x128xf32, #tpu.memory_space<vmem>>
      %dma_wait3A_871 = tpu.memref_squeeze %dma_wait3A_870 : memref<1x16x128xf32, #tpu.memory_space<vmem>> -> memref<16x128xf32, #tpu.memory_space<vmem>>
      %dma_wait3A_872 = arith.constant 0 : i32
      %dma_wait3A_873 = tpu.memref_slice %arg5[%dma_wait3A_872, %multiple_of3A_414] : memref<16x1000000xf32, #tpu.memory_space<hbm>> -> memref<16x128xf32, #tpu.memory_space<hbm>>
      %dma_wait3A_874 = arith.constant 0 : i32
      %dma_wait3A_875 = arith.constant 0 : i32
      %dma_wait3A_876 = tpu.memref_slice %arg10[%dma_wait3A_867, %dma_wait3A_874, %dma_wait3A_875] : memref<16x16x128xf32, #tpu.memory_space<vmem>> -> memref<1x16x128xf32, #tpu.memory_space<vmem>>
      %dma_wait3A_877 = tpu.memref_squeeze %dma_wait3A_876 : memref<1x16x128xf32, #tpu.memory_space<vmem>> -> memref<16x128xf32, #tpu.memory_space<vmem>>
      %dma_wait3A_878 = arith.constant 0 : i32
      %dma_wait3A_879 = tpu.memref_slice %arg5[%dma_wait3A_878, %multiple_of3A_414] : memref<16x1000000xf32, #tpu.memory_space<hbm>> -> memref<16x128xf32, #tpu.memory_space<hbm>>
      tpu.wait_dma2 semaphore(%arg12 : memref<!tpu.dma_semaphore, #tpu.memory_space<semaphore_mem>>) src(%dma_wait3A_879 : memref<16x128xf32, #tpu.memory_space<hbm>>) dst(%dma_wait3A_877 : memref<16x128xf32, #tpu.memory_space<vmem>>)
      %dma_wait3A_880 = arith.constant 12 : i32
      %dma_wait3A_881 = arith.constant 0 : i32
      %dma_wait3A_882 = arith.constant 0 : i32
      %dma_wait3A_883 = tpu.memref_slice %arg9[%dma_wait3A_880, %dma_wait3A_881, %dma_wait3A_882] : memref<16x16x128xf32, #tpu.memory_space<vmem>> -> memref<1x16x128xf32, #tpu.memory_space<vmem>>
      %dma_wait3A_884 = tpu.memref_squeeze %dma_wait3A_883 : memref<1x16x128xf32, #tpu.memory_space<vmem>> -> memref<16x128xf32, #tpu.memory_space<vmem>>
      %dma_wait3A_885 = arith.constant 0 : i32
      %dma_wait3A_886 = tpu.memref_slice %arg4[%dma_wait3A_885, %multiple_of3A_443] : memref<16x1000000xf32, #tpu.memory_space<hbm>> -> memref<16x128xf32, #tpu.memory_space<hbm>>
      %dma_wait3A_887 = arith.constant 0 : i32
      %dma_wait3A_888 = arith.constant 0 : i32
      %dma_wait3A_889 = tpu.memref_slice %arg9[%dma_wait3A_880, %dma_wait3A_887, %dma_wait3A_888] : memref<16x16x128xf32, #tpu.memory_space<vmem>> -> memref<1x16x128xf32, #tpu.memory_space<vmem>>
      %dma_wait3A_890 = tpu.memref_squeeze %dma_wait3A_889 : memref<1x16x128xf32, #tpu.memory_space<vmem>> -> memref<16x128xf32, #tpu.memory_space<vmem>>
      %dma_wait3A_891 = arith.constant 0 : i32
      %dma_wait3A_892 = tpu.memref_slice %arg4[%dma_wait3A_891, %multiple_of3A_443] : memref<16x1000000xf32, #tpu.memory_space<hbm>> -> memref<16x128xf32, #tpu.memory_space<hbm>>
      tpu.wait_dma2 semaphore(%arg12 : memref<!tpu.dma_semaphore, #tpu.memory_space<semaphore_mem>>) src(%dma_wait3A_892 : memref<16x128xf32, #tpu.memory_space<hbm>>) dst(%dma_wait3A_890 : memref<16x128xf32, #tpu.memory_space<vmem>>)
      %dma_wait3A_893 = arith.constant 12 : i32
      %dma_wait3A_894 = arith.constant 0 : i32
      %dma_wait3A_895 = arith.constant 0 : i32
      %dma_wait3A_896 = tpu.memref_slice %arg10[%dma_wait3A_893, %dma_wait3A_894, %dma_wait3A_895] : memref<16x16x128xf32, #tpu.memory_space<vmem>> -> memref<1x16x128xf32, #tpu.memory_space<vmem>>
      %dma_wait3A_897 = tpu.memref_squeeze %dma_wait3A_896 : memref<1x16x128xf32, #tpu.memory_space<vmem>> -> memref<16x128xf32, #tpu.memory_space<vmem>>
      %dma_wait3A_898 = arith.constant 0 : i32
      %dma_wait3A_899 = tpu.memref_slice %arg5[%dma_wait3A_898, %multiple_of3A_446] : memref<16x1000000xf32, #tpu.memory_space<hbm>> -> memref<16x128xf32, #tpu.memory_space<hbm>>
      %dma_wait3A_900 = arith.constant 0 : i32
      %dma_wait3A_901 = arith.constant 0 : i32
      %dma_wait3A_902 = tpu.memref_slice %arg10[%dma_wait3A_893, %dma_wait3A_900, %dma_wait3A_901] : memref<16x16x128xf32, #tpu.memory_space<vmem>> -> memref<1x16x128xf32, #tpu.memory_space<vmem>>
      %dma_wait3A_903 = tpu.memref_squeeze %dma_wait3A_902 : memref<1x16x128xf32, #tpu.memory_space<vmem>> -> memref<16x128xf32, #tpu.memory_space<vmem>>
      %dma_wait3A_904 = arith.constant 0 : i32
      %dma_wait3A_905 = tpu.memref_slice %arg5[%dma_wait3A_904, %multiple_of3A_446] : memref<16x1000000xf32, #tpu.memory_space<hbm>> -> memref<16x128xf32, #tpu.memory_space<hbm>>
      tpu.wait_dma2 semaphore(%arg12 : memref<!tpu.dma_semaphore, #tpu.memory_space<semaphore_mem>>) src(%dma_wait3A_905 : memref<16x128xf32, #tpu.memory_space<hbm>>) dst(%dma_wait3A_903 : memref<16x128xf32, #tpu.memory_space<vmem>>)
      %dma_wait3A_906 = arith.constant 13 : i32
      %dma_wait3A_907 = arith.constant 0 : i32
      %dma_wait3A_908 = arith.constant 0 : i32
      %dma_wait3A_909 = tpu.memref_slice %arg9[%dma_wait3A_906, %dma_wait3A_907, %dma_wait3A_908] : memref<16x16x128xf32, #tpu.memory_space<vmem>> -> memref<1x16x128xf32, #tpu.memory_space<vmem>>
      %dma_wait3A_910 = tpu.memref_squeeze %dma_wait3A_909 : memref<1x16x128xf32, #tpu.memory_space<vmem>> -> memref<16x128xf32, #tpu.memory_space<vmem>>
      %dma_wait3A_911 = arith.constant 0 : i32
      %dma_wait3A_912 = tpu.memref_slice %arg4[%dma_wait3A_911, %multiple_of3A_475] : memref<16x1000000xf32, #tpu.memory_space<hbm>> -> memref<16x128xf32, #tpu.memory_space<hbm>>
      %dma_wait3A_913 = arith.constant 0 : i32
      %dma_wait3A_914 = arith.constant 0 : i32
      %dma_wait3A_915 = tpu.memref_slice %arg9[%dma_wait3A_906, %dma_wait3A_913, %dma_wait3A_914] : memref<16x16x128xf32, #tpu.memory_space<vmem>> -> memref<1x16x128xf32, #tpu.memory_space<vmem>>
      %dma_wait3A_916 = tpu.memref_squeeze %dma_wait3A_915 : memref<1x16x128xf32, #tpu.memory_space<vmem>> -> memref<16x128xf32, #tpu.memory_space<vmem>>
      %dma_wait3A_917 = arith.constant 0 : i32
      %dma_wait3A_918 = tpu.memref_slice %arg4[%dma_wait3A_917, %multiple_of3A_475] : memref<16x1000000xf32, #tpu.memory_space<hbm>> -> memref<16x128xf32, #tpu.memory_space<hbm>>
      tpu.wait_dma2 semaphore(%arg12 : memref<!tpu.dma_semaphore, #tpu.memory_space<semaphore_mem>>) src(%dma_wait3A_918 : memref<16x128xf32, #tpu.memory_space<hbm>>) dst(%dma_wait3A_916 : memref<16x128xf32, #tpu.memory_space<vmem>>)
      %dma_wait3A_919 = arith.constant 13 : i32
      %dma_wait3A_920 = arith.constant 0 : i32
      %dma_wait3A_921 = arith.constant 0 : i32
      %dma_wait3A_922 = tpu.memref_slice %arg10[%dma_wait3A_919, %dma_wait3A_920, %dma_wait3A_921] : memref<16x16x128xf32, #tpu.memory_space<vmem>> -> memref<1x16x128xf32, #tpu.memory_space<vmem>>
      %dma_wait3A_923 = tpu.memref_squeeze %dma_wait3A_922 : memref<1x16x128xf32, #tpu.memory_space<vmem>> -> memref<16x128xf32, #tpu.memory_space<vmem>>
      %dma_wait3A_924 = arith.constant 0 : i32
      %dma_wait3A_925 = tpu.memref_slice %arg5[%dma_wait3A_924, %multiple_of3A_478] : memref<16x1000000xf32, #tpu.memory_space<hbm>> -> memref<16x128xf32, #tpu.memory_space<hbm>>
      %dma_wait3A_926 = arith.constant 0 : i32
      %dma_wait3A_927 = arith.constant 0 : i32
      %dma_wait3A_928 = tpu.memref_slice %arg10[%dma_wait3A_919, %dma_wait3A_926, %dma_wait3A_927] : memref<16x16x128xf32, #tpu.memory_space<vmem>> -> memref<1x16x128xf32, #tpu.memory_space<vmem>>
      %dma_wait3A_929 = tpu.memref_squeeze %dma_wait3A_928 : memref<1x16x128xf32, #tpu.memory_space<vmem>> -> memref<16x128xf32, #tpu.memory_space<vmem>>
      %dma_wait3A_930 = arith.constant 0 : i32
      %dma_wait3A_931 = tpu.memref_slice %arg5[%dma_wait3A_930, %multiple_of3A_478] : memref<16x1000000xf32, #tpu.memory_space<hbm>> -> memref<16x128xf32, #tpu.memory_space<hbm>>
      tpu.wait_dma2 semaphore(%arg12 : memref<!tpu.dma_semaphore, #tpu.memory_space<semaphore_mem>>) src(%dma_wait3A_931 : memref<16x128xf32, #tpu.memory_space<hbm>>) dst(%dma_wait3A_929 : memref<16x128xf32, #tpu.memory_space<vmem>>)
      %dma_wait3A_932 = arith.constant 14 : i32
      %dma_wait3A_933 = arith.constant 0 : i32
      %dma_wait3A_934 = arith.constant 0 : i32
      %dma_wait3A_935 = tpu.memref_slice %arg9[%dma_wait3A_932, %dma_wait3A_933, %dma_wait3A_934] : memref<16x16x128xf32, #tpu.memory_space<vmem>> -> memref<1x16x128xf32, #tpu.memory_space<vmem>>
      %dma_wait3A_936 = tpu.memref_squeeze %dma_wait3A_935 : memref<1x16x128xf32, #tpu.memory_space<vmem>> -> memref<16x128xf32, #tpu.memory_space<vmem>>
      %dma_wait3A_937 = arith.constant 0 : i32
      %dma_wait3A_938 = tpu.memref_slice %arg4[%dma_wait3A_937, %multiple_of3A_507] : memref<16x1000000xf32, #tpu.memory_space<hbm>> -> memref<16x128xf32, #tpu.memory_space<hbm>>
      %dma_wait3A_939 = arith.constant 0 : i32
      %dma_wait3A_940 = arith.constant 0 : i32
      %dma_wait3A_941 = tpu.memref_slice %arg9[%dma_wait3A_932, %dma_wait3A_939, %dma_wait3A_940] : memref<16x16x128xf32, #tpu.memory_space<vmem>> -> memref<1x16x128xf32, #tpu.memory_space<vmem>>
      %dma_wait3A_942 = tpu.memref_squeeze %dma_wait3A_941 : memref<1x16x128xf32, #tpu.memory_space<vmem>> -> memref<16x128xf32, #tpu.memory_space<vmem>>
      %dma_wait3A_943 = arith.constant 0 : i32
      %dma_wait3A_944 = tpu.memref_slice %arg4[%dma_wait3A_943, %multiple_of3A_507] : memref<16x1000000xf32, #tpu.memory_space<hbm>> -> memref<16x128xf32, #tpu.memory_space<hbm>>
      tpu.wait_dma2 semaphore(%arg12 : memref<!tpu.dma_semaphore, #tpu.memory_space<semaphore_mem>>) src(%dma_wait3A_944 : memref<16x128xf32, #tpu.memory_space<hbm>>) dst(%dma_wait3A_942 : memref<16x128xf32, #tpu.memory_space<vmem>>)
      %dma_wait3A_945 = arith.constant 14 : i32
      %dma_wait3A_946 = arith.constant 0 : i32
      %dma_wait3A_947 = arith.constant 0 : i32
      %dma_wait3A_948 = tpu.memref_slice %arg10[%dma_wait3A_945, %dma_wait3A_946, %dma_wait3A_947] : memref<16x16x128xf32, #tpu.memory_space<vmem>> -> memref<1x16x128xf32, #tpu.memory_space<vmem>>
      %dma_wait3A_949 = tpu.memref_squeeze %dma_wait3A_948 : memref<1x16x128xf32, #tpu.memory_space<vmem>> -> memref<16x128xf32, #tpu.memory_space<vmem>>
      %dma_wait3A_950 = arith.constant 0 : i32
      %dma_wait3A_951 = tpu.memref_slice %arg5[%dma_wait3A_950, %multiple_of3A_510] : memref<16x1000000xf32, #tpu.memory_space<hbm>> -> memref<16x128xf32, #tpu.memory_space<hbm>>
      %dma_wait3A_952 = arith.constant 0 : i32
      %dma_wait3A_953 = arith.constant 0 : i32
      %dma_wait3A_954 = tpu.memref_slice %arg10[%dma_wait3A_945, %dma_wait3A_952, %dma_wait3A_953] : memref<16x16x128xf32, #tpu.memory_space<vmem>> -> memref<1x16x128xf32, #tpu.memory_space<vmem>>
      %dma_wait3A_955 = tpu.memref_squeeze %dma_wait3A_954 : memref<1x16x128xf32, #tpu.memory_space<vmem>> -> memref<16x128xf32, #tpu.memory_space<vmem>>
      %dma_wait3A_956 = arith.constant 0 : i32
      %dma_wait3A_957 = tpu.memref_slice %arg5[%dma_wait3A_956, %multiple_of3A_510] : memref<16x1000000xf32, #tpu.memory_space<hbm>> -> memref<16x128xf32, #tpu.memory_space<hbm>>
      tpu.wait_dma2 semaphore(%arg12 : memref<!tpu.dma_semaphore, #tpu.memory_space<semaphore_mem>>) src(%dma_wait3A_957 : memref<16x128xf32, #tpu.memory_space<hbm>>) dst(%dma_wait3A_955 : memref<16x128xf32, #tpu.memory_space<vmem>>)
      %dma_wait3A_958 = arith.constant 15 : i32
      %dma_wait3A_959 = arith.constant 0 : i32
      %dma_wait3A_960 = arith.constant 0 : i32
      %dma_wait3A_961 = tpu.memref_slice %arg9[%dma_wait3A_958, %dma_wait3A_959, %dma_wait3A_960] : memref<16x16x128xf32, #tpu.memory_space<vmem>> -> memref<1x16x128xf32, #tpu.memory_space<vmem>>
      %dma_wait3A_962 = tpu.memref_squeeze %dma_wait3A_961 : memref<1x16x128xf32, #tpu.memory_space<vmem>> -> memref<16x128xf32, #tpu.memory_space<vmem>>
      %dma_wait3A_963 = arith.constant 0 : i32
      %dma_wait3A_964 = tpu.memref_slice %arg4[%dma_wait3A_963, %multiple_of3A_539] : memref<16x1000000xf32, #tpu.memory_space<hbm>> -> memref<16x128xf32, #tpu.memory_space<hbm>>
      %dma_wait3A_965 = arith.constant 0 : i32
      %dma_wait3A_966 = arith.constant 0 : i32
      %dma_wait3A_967 = tpu.memref_slice %arg9[%dma_wait3A_958, %dma_wait3A_965, %dma_wait3A_966] : memref<16x16x128xf32, #tpu.memory_space<vmem>> -> memref<1x16x128xf32, #tpu.memory_space<vmem>>
      %dma_wait3A_968 = tpu.memref_squeeze %dma_wait3A_967 : memref<1x16x128xf32, #tpu.memory_space<vmem>> -> memref<16x128xf32, #tpu.memory_space<vmem>>
      %dma_wait3A_969 = arith.constant 0 : i32
      %dma_wait3A_970 = tpu.memref_slice %arg4[%dma_wait3A_969, %multiple_of3A_539] : memref<16x1000000xf32, #tpu.memory_space<hbm>> -> memref<16x128xf32, #tpu.memory_space<hbm>>
      tpu.wait_dma2 semaphore(%arg12 : memref<!tpu.dma_semaphore, #tpu.memory_space<semaphore_mem>>) src(%dma_wait3A_970 : memref<16x128xf32, #tpu.memory_space<hbm>>) dst(%dma_wait3A_968 : memref<16x128xf32, #tpu.memory_space<vmem>>)
      %dma_wait3A_971 = arith.constant 15 : i32
      %dma_wait3A_972 = arith.constant 0 : i32
      %dma_wait3A_973 = arith.constant 0 : i32
      %dma_wait3A_974 = tpu.memref_slice %arg10[%dma_wait3A_971, %dma_wait3A_972, %dma_wait3A_973] : memref<16x16x128xf32, #tpu.memory_space<vmem>> -> memref<1x16x128xf32, #tpu.memory_space<vmem>>
      %dma_wait3A_975 = tpu.memref_squeeze %dma_wait3A_974 : memref<1x16x128xf32, #tpu.memory_space<vmem>> -> memref<16x128xf32, #tpu.memory_space<vmem>>
      %dma_wait3A_976 = arith.constant 0 : i32
      %dma_wait3A_977 = tpu.memref_slice %arg5[%dma_wait3A_976, %multiple_of3A_542] : memref<16x1000000xf32, #tpu.memory_space<hbm>> -> memref<16x128xf32, #tpu.memory_space<hbm>>
      %dma_wait3A_978 = arith.constant 0 : i32
      %dma_wait3A_979 = arith.constant 0 : i32
      %dma_wait3A_980 = tpu.memref_slice %arg10[%dma_wait3A_971, %dma_wait3A_978, %dma_wait3A_979] : memref<16x16x128xf32, #tpu.memory_space<vmem>> -> memref<1x16x128xf32, #tpu.memory_space<vmem>>
      %dma_wait3A_981 = tpu.memref_squeeze %dma_wait3A_980 : memref<1x16x128xf32, #tpu.memory_space<vmem>> -> memref<16x128xf32, #tpu.memory_space<vmem>>
      %dma_wait3A_982 = arith.constant 0 : i32
      %dma_wait3A_983 = tpu.memref_slice %arg5[%dma_wait3A_982, %multiple_of3A_542] : memref<16x1000000xf32, #tpu.memory_space<hbm>> -> memref<16x128xf32, #tpu.memory_space<hbm>>
      tpu.wait_dma2 semaphore(%arg12 : memref<!tpu.dma_semaphore, #tpu.memory_space<semaphore_mem>>) src(%dma_wait3A_983 : memref<16x128xf32, #tpu.memory_space<hbm>>) dst(%dma_wait3A_981 : memref<16x128xf32, #tpu.memory_space<vmem>>)
      %gather3A = tpu.vector_load_idx %arg9[%iota3A, %broadcast_in_dim3A_1, %and3A_46] : memref<16x16x128xf32, #tpu.memory_space<vmem>>[vector<16xi32>, vector<16xi32>, vector<16xi32>], vector<16xf32>,
      %gather3A_984 = tpu.vector_load_idx %arg10[%iota3A, %broadcast_in_dim3A_1, %and3A_49] : memref<16x16x128xf32, #tpu.memory_space<vmem>>[vector<16xi32>, vector<16xi32>, vector<16xi32>], vector<16xf32>,
      %mul3A_985 = arith.mulf %gather3A, %gather3A_984 : vector<16xf32>
      %gather3A_986 = tpu.vector_load_idx %arg9[%iota3A, %broadcast_in_dim3A_3, %and3A_46] : memref<16x16x128xf32, #tpu.memory_space<vmem>>[vector<16xi32>, vector<16xi32>, vector<16xi32>], vector<16xf32>,
      %gather3A_987 = tpu.vector_load_idx %arg10[%iota3A, %broadcast_in_dim3A_3, %and3A_49] : memref<16x16x128xf32, #tpu.memory_space<vmem>>[vector<16xi32>, vector<16xi32>, vector<16xi32>], vector<16xf32>,
      %mul3A_988 = arith.mulf %gather3A_986, %gather3A_987 : vector<16xf32>
      %add3A_989 = arith.addf %mul3A_985, %mul3A_988 : vector<16xf32>
      %gather3A_990 = tpu.vector_load_idx %arg9[%iota3A, %broadcast_in_dim3A_5, %and3A_46] : memref<16x16x128xf32, #tpu.memory_space<vmem>>[vector<16xi32>, vector<16xi32>, vector<16xi32>], vector<16xf32>,
      %gather3A_991 = tpu.vector_load_idx %arg10[%iota3A, %broadcast_in_dim3A_5, %and3A_49] : memref<16x16x128xf32, #tpu.memory_space<vmem>>[vector<16xi32>, vector<16xi32>, vector<16xi32>], vector<16xf32>,
      %mul3A_992 = arith.mulf %gather3A_990, %gather3A_991 : vector<16xf32>
      %add3A_993 = arith.addf %add3A_989, %mul3A_992 : vector<16xf32>
      %gather3A_994 = tpu.vector_load_idx %arg9[%iota3A, %broadcast_in_dim3A_7, %and3A_46] : memref<16x16x128xf32, #tpu.memory_space<vmem>>[vector<16xi32>, vector<16xi32>, vector<16xi32>], vector<16xf32>,
      %gather3A_995 = tpu.vector_load_idx %arg10[%iota3A, %broadcast_in_dim3A_7, %and3A_49] : memref<16x16x128xf32, #tpu.memory_space<vmem>>[vector<16xi32>, vector<16xi32>, vector<16xi32>], vector<16xf32>,
      %mul3A_996 = arith.mulf %gather3A_994, %gather3A_995 : vector<16xf32>
      %add3A_997 = arith.addf %add3A_993, %mul3A_996 : vector<16xf32>
      %gather3A_998 = tpu.vector_load_idx %arg9[%iota3A, %broadcast_in_dim3A_9, %and3A_46] : memref<16x16x128xf32, #tpu.memory_space<vmem>>[vector<16xi32>, vector<16xi32>, vector<16xi32>], vector<16xf32>,
      %gather3A_999 = tpu.vector_load_idx %arg10[%iota3A, %broadcast_in_dim3A_9, %and3A_49] : memref<16x16x128xf32, #tpu.memory_space<vmem>>[vector<16xi32>, vector<16xi32>, vector<16xi32>], vector<16xf32>,
      %mul3A_1000 = arith.mulf %gather3A_998, %gather3A_999 : vector<16xf32>
      %add3A_1001 = arith.addf %add3A_997, %mul3A_1000 : vector<16xf32>
      %gather3A_1002 = tpu.vector_load_idx %arg9[%iota3A, %broadcast_in_dim3A_11, %and3A_46] : memref<16x16x128xf32, #tpu.memory_space<vmem>>[vector<16xi32>, vector<16xi32>, vector<16xi32>], vector<16xf32>,
      %gather3A_1003 = tpu.vector_load_idx %arg10[%iota3A, %broadcast_in_dim3A_11, %and3A_49] : memref<16x16x128xf32, #tpu.memory_space<vmem>>[vector<16xi32>, vector<16xi32>, vector<16xi32>], vector<16xf32>,
      %mul3A_1004 = arith.mulf %gather3A_1002, %gather3A_1003 : vector<16xf32>
      %add3A_1005 = arith.addf %add3A_1001, %mul3A_1004 : vector<16xf32>
      %gather3A_1006 = tpu.vector_load_idx %arg9[%iota3A, %broadcast_in_dim3A_13, %and3A_46] : memref<16x16x128xf32, #tpu.memory_space<vmem>>[vector<16xi32>, vector<16xi32>, vector<16xi32>], vector<16xf32>,
      %gather3A_1007 = tpu.vector_load_idx %arg10[%iota3A, %broadcast_in_dim3A_13, %and3A_49] : memref<16x16x128xf32, #tpu.memory_space<vmem>>[vector<16xi32>, vector<16xi32>, vector<16xi32>], vector<16xf32>,
      %mul3A_1008 = arith.mulf %gather3A_1006, %gather3A_1007 : vector<16xf32>
      %add3A_1009 = arith.addf %add3A_1005, %mul3A_1008 : vector<16xf32>
      %gather3A_1010 = tpu.vector_load_idx %arg9[%iota3A, %broadcast_in_dim3A_15, %and3A_46] : memref<16x16x128xf32, #tpu.memory_space<vmem>>[vector<16xi32>, vector<16xi32>, vector<16xi32>], vector<16xf32>,
      %gather3A_1011 = tpu.vector_load_idx %arg10[%iota3A, %broadcast_in_dim3A_15, %and3A_49] : memref<16x16x128xf32, #tpu.memory_space<vmem>>[vector<16xi32>, vector<16xi32>, vector<16xi32>], vector<16xf32>,
      %mul3A_1012 = arith.mulf %gather3A_1010, %gather3A_1011 : vector<16xf32>
      %add3A_1013 = arith.addf %add3A_1009, %mul3A_1012 : vector<16xf32>
      %gather3A_1014 = tpu.vector_load_idx %arg9[%iota3A, %broadcast_in_dim3A_17, %and3A_46] : memref<16x16x128xf32, #tpu.memory_space<vmem>>[vector<16xi32>, vector<16xi32>, vector<16xi32>], vector<16xf32>,
      %gather3A_1015 = tpu.vector_load_idx %arg10[%iota3A, %broadcast_in_dim3A_17, %and3A_49] : memref<16x16x128xf32, #tpu.memory_space<vmem>>[vector<16xi32>, vector<16xi32>, vector<16xi32>], vector<16xf32>,
      %mul3A_1016 = arith.mulf %gather3A_1014, %gather3A_1015 : vector<16xf32>
      %add3A_1017 = arith.addf %add3A_1013, %mul3A_1016 : vector<16xf32>
      %gather3A_1018 = tpu.vector_load_idx %arg9[%iota3A, %broadcast_in_dim3A_19, %and3A_46] : memref<16x16x128xf32, #tpu.memory_space<vmem>>[vector<16xi32>, vector<16xi32>, vector<16xi32>], vector<16xf32>,
      %gather3A_1019 = tpu.vector_load_idx %arg10[%iota3A, %broadcast_in_dim3A_19, %and3A_49] : memref<16x16x128xf32, #tpu.memory_space<vmem>>[vector<16xi32>, vector<16xi32>, vector<16xi32>], vector<16xf32>,
      %mul3A_1020 = arith.mulf %gather3A_1018, %gather3A_1019 : vector<16xf32>
      %add3A_1021 = arith.addf %add3A_1017, %mul3A_1020 : vector<16xf32>
      %gather3A_1022 = tpu.vector_load_idx %arg9[%iota3A, %broadcast_in_dim3A_21, %and3A_46] : memref<16x16x128xf32, #tpu.memory_space<vmem>>[vector<16xi32>, vector<16xi32>, vector<16xi32>], vector<16xf32>,
      %gather3A_1023 = tpu.vector_load_idx %arg10[%iota3A, %broadcast_in_dim3A_21, %and3A_49] : memref<16x16x128xf32, #tpu.memory_space<vmem>>[vector<16xi32>, vector<16xi32>, vector<16xi32>], vector<16xf32>,
      %mul3A_1024 = arith.mulf %gather3A_1022, %gather3A_1023 : vector<16xf32>
      %add3A_1025 = arith.addf %add3A_1021, %mul3A_1024 : vector<16xf32>
      %gather3A_1026 = tpu.vector_load_idx %arg9[%iota3A, %broadcast_in_dim3A_23, %and3A_46] : memref<16x16x128xf32, #tpu.memory_space<vmem>>[vector<16xi32>, vector<16xi32>, vector<16xi32>], vector<16xf32>,
      %gather3A_1027 = tpu.vector_load_idx %arg10[%iota3A, %broadcast_in_dim3A_23, %and3A_49] : memref<16x16x128xf32, #tpu.memory_space<vmem>>[vector<16xi32>, vector<16xi32>, vector<16xi32>], vector<16xf32>,
      %mul3A_1028 = arith.mulf %gather3A_1026, %gather3A_1027 : vector<16xf32>
      %add3A_1029 = arith.addf %add3A_1025, %mul3A_1028 : vector<16xf32>
      %gather3A_1030 = tpu.vector_load_idx %arg9[%iota3A, %broadcast_in_dim3A_25, %and3A_46] : memref<16x16x128xf32, #tpu.memory_space<vmem>>[vector<16xi32>, vector<16xi32>, vector<16xi32>], vector<16xf32>,
      %gather3A_1031 = tpu.vector_load_idx %arg10[%iota3A, %broadcast_in_dim3A_25, %and3A_49] : memref<16x16x128xf32, #tpu.memory_space<vmem>>[vector<16xi32>, vector<16xi32>, vector<16xi32>], vector<16xf32>,
      %mul3A_1032 = arith.mulf %gather3A_1030, %gather3A_1031 : vector<16xf32>
      %add3A_1033 = arith.addf %add3A_1029, %mul3A_1032 : vector<16xf32>
      %gather3A_1034 = tpu.vector_load_idx %arg9[%iota3A, %broadcast_in_dim3A_27, %and3A_46] : memref<16x16x128xf32, #tpu.memory_space<vmem>>[vector<16xi32>, vector<16xi32>, vector<16xi32>], vector<16xf32>,
      %gather3A_1035 = tpu.vector_load_idx %arg10[%iota3A, %broadcast_in_dim3A_27, %and3A_49] : memref<16x16x128xf32, #tpu.memory_space<vmem>>[vector<16xi32>, vector<16xi32>, vector<16xi32>], vector<16xf32>,
      %mul3A_1036 = arith.mulf %gather3A_1034, %gather3A_1035 : vector<16xf32>
      %add3A_1037 = arith.addf %add3A_1033, %mul3A_1036 : vector<16xf32>
      %gather3A_1038 = tpu.vector_load_idx %arg9[%iota3A, %broadcast_in_dim3A_29, %and3A_46] : memref<16x16x128xf32, #tpu.memory_space<vmem>>[vector<16xi32>, vector<16xi32>, vector<16xi32>], vector<16xf32>,
      %gather3A_1039 = tpu.vector_load_idx %arg10[%iota3A, %broadcast_in_dim3A_29, %and3A_49] : memref<16x16x128xf32, #tpu.memory_space<vmem>>[vector<16xi32>, vector<16xi32>, vector<16xi32>], vector<16xf32>,
      %mul3A_1040 = arith.mulf %gather3A_1038, %gather3A_1039 : vector<16xf32>
      %add3A_1041 = arith.addf %add3A_1037, %mul3A_1040 : vector<16xf32>
      %gather3A_1042 = tpu.vector_load_idx %arg9[%iota3A, %broadcast_in_dim3A_31, %and3A_46] : memref<16x16x128xf32, #tpu.memory_space<vmem>>[vector<16xi32>, vector<16xi32>, vector<16xi32>], vector<16xf32>,
      %gather3A_1043 = tpu.vector_load_idx %arg10[%iota3A, %broadcast_in_dim3A_31, %and3A_49] : memref<16x16x128xf32, #tpu.memory_space<vmem>>[vector<16xi32>, vector<16xi32>, vector<16xi32>], vector<16xf32>,
      %mul3A_1044 = arith.mulf %gather3A_1042, %gather3A_1043 : vector<16xf32>
      %add3A_1045 = arith.addf %add3A_1041, %mul3A_1044 : vector<16xf32>
      %neg3A = arith.constant 0.000000e+00 : f32
      %neg3A_1046 = vector.broadcast %neg3A : f32 to vector<16xf32>
      %neg3A_1047 = arith.subf %neg3A_1046, %add3A_1045 : vector<16xf32>
      %exp3A = math.exp %neg3A_1047 : vector<16xf32>
      %add3A_1048 = arith.constant 1.000000e+00 : f32
      %add3A_1049 = vector.broadcast %add3A_1048 : f32 to vector<16xf32>
      %add3A_1050 = arith.addf %add3A_1049, %exp3A : vector<16xf32>
      %div3A = arith.constant 1.000000e+00 : f32
      %div3A_1051 = vector.broadcast %div3A : f32 to vector<16xf32>
      %div3A_1052 = arith.divf %div3A_1051, %add3A_1050 : vector<16xf32>
      %mul3A_1053 = arith.constant 16 : i32
      %mul3A_1054 = arith.muli %scan3A_39, %mul3A_1053 : i32
      %swap3A = arith.index_cast %mul3A_1054 : i32 to index
      %swap3A_1055 = tpu.vector_load %arg11[%swap3A] {strides = array<i32>} : memref<512xf32, #tpu.memory_space<vmem>>, vector<16xf32>,
      tpu.vector_store %arg11[%swap3A], %div3A_1052 {strides = array<i32>} : memref<512xf32, #tpu.memory_space<vmem>>, vector<16xf32>,
    }
    %scan3A_36 = arith.constant 32 : i32
    %mul3A_37 = arith.constant 512 : i32
    %mul3A_38 = arith.muli %add3A, %mul3A_37 : i32
    "tpu.region"() ({
      %run_scoped3A = tpu.sem_alloc : memref<!tpu.dma_semaphore, #tpu.memory_space<semaphore_mem>>
      %dma_start3A = tpu.memref_slice %arg6[%mul3A_38] : memref<16384xf32, #tpu.memory_space<hbm>> -> memref<512xf32, #tpu.memory_space<hbm>>
      %dma_start3A_39 = tpu.memref_slice %arg6[%mul3A_38] : memref<16384xf32, #tpu.memory_space<hbm>> -> memref<512xf32, #tpu.memory_space<hbm>>
      tpu.enqueue_dma source(%arg11 : memref<512xf32, #tpu.memory_space<vmem>>) target(%dma_start3A_39 : memref<512xf32, #tpu.memory_space<hbm>>) target_semaphore(%run_scoped3A : memref<!tpu.dma_semaphore, #tpu.memory_space<semaphore_mem>>)
      %dma_wait3A = tpu.memref_slice %arg6[%mul3A_38] : memref<16384xf32, #tpu.memory_space<hbm>> -> memref<512xf32, #tpu.memory_space<hbm>>
      %dma_wait3A_40 = tpu.memref_slice %arg6[%mul3A_38] : memref<16384xf32, #tpu.memory_space<hbm>> -> memref<512xf32, #tpu.memory_space<hbm>>
      tpu.wait_dma2 semaphore(%run_scoped3A : memref<!tpu.dma_semaphore, #tpu.memory_space<semaphore_mem>>) src(%arg11 : memref<512xf32, #tpu.memory_space<vmem>>) dst(%dma_wait3A_40 : memref<512xf32, #tpu.memory_space<hbm>>)
      tpu.yield
    }) : () -> ()
    return
  }
}

</mosaic_0001>

<sc_bundles>
// kernel: kernel.3.cloned.1.call-start
scs
__scs_entry_jumppad:
0x0: {  	(pc) =	sbr.rel $0x88, $3  }
0x1: {  	(tag) =	ssettag $0x0;
	lr =	simm.s32 $0x1  }
0x2: {  	[smem:$0x3F9E] =	sst lr;
	_ =	strace $0xD0000000  }
0x3: {  	_ = 	snop  }
0x4: {  	_ = 	snop  }
0x5: {  	_ = 	snop  }
0x6: {  	_ = 	snop  }
0x7: {  	_ = 	snop  }
__scs_overlays_trampoline_lowered:
0x8: {  	[smem:$0x3FAD] =	sst s0  }
0x9: {  	[smem:$0x3FAE] =	sst s1  }
0xa: {  	[smem:$0x3FAF] =	sst s2  }
0xb: {  	[smem:$0x3FB0] =	sst s3  }
0xc: {  	[smem:$0x3FB1] =	sst s4  }
0xd: {  	[smem:$0x3FB2] =	sst s5  }
0xe: {  	[smem:$0x3FB3] =	sst s6  }
0xf: {  	[smem:$0x3FB4] =	sst s7  }
0x10: {  	[smem:$0x3FB5] =	sst s8  }
0x11: {  	[smem:$0x3FB6] =	sst s9;
	s0 =	simm.s32 @!p0 $0x0  }
0x12: {  	s1 =	sld [smem:$0x3F9C];
	s0 =	simm.s32 @p0 $0x1  }
0x13: {  	[smem:$0x3FB7] =	sst s0;
	s0 =	simm.s32 @!p1 $0x0  }
0x14: {  	s2 =	sld [smem:$0x3F9B];
	s0 =	simm.s32 @p1 $0x1  }
0x15: {  	[smem:$0x3FB8] =	sst s0;
	s0 =	simm.s32 @!p2 $0x0  }
0x16: {  	s3 =	sld [smem:$0x3FDB];
	s0 =	simm.s32 @p2 $0x1  }
0x17: {  	s4 =	simm.s32 $0x1BF5;
	[smem:$0x3FBA] =	sst s0  }
0x18: {  	s0 =	sld [smem:$0x3F9D];
	_ =	swait.ge [sflag:s4], $0x0  }
0x19: {  	s7 =	sld [smem:$0x3F9E]  }
0x1a: {  	s8 =	sadd.s32 $0xFFFFE003, lr  }
0x1b: {  	s9 =	sadd.s32 $0xFFFFFEF7, lr;
	s5 =	simm.s32 $0xFFFFFFFF;
	p2 =	slt.u32 s8, $0xFFFFF086  }
0x1c: {  	p1 =	slt.u32 s9, $0xF7A;
	s5 =	simm.s32 @!p2 $0x0  }
0x1d: {  	s5 =	simm.s32 @p1 $0x1;
	p0 =	seq.s32 s7, s2  }
0x1e: {  	s7 =	smul.u32 @!p0 $0xF7A, s2;
	p2 =	seq.s32 @!p0 s5, $0x0  }
0x1f: {  	s9 =	smul.u32 $0xF7A, s1;
	s8 =	simm.s32 @!p0 $0x1BF5;
	p2 =	por !p2, p0  }
0x20: {  	[sflag:s8] =	ssyncset.s32 @!p0 $0xFFFFF086;
	s6 =	sadd.s32 @!p0 s3, s7;
	s7 =	simm.s32 @!p0 $0x108  }
0x21: {  	s3 =	sadd.s32 s3, s9;
	s6 =	sadd.s32 @!p0 $0x88, s6;
	s7 =	simm.s32 @p2 $0x1082  }
0x22: {  	[simem:s7], [sflag:s8] =	dma.local @!p0 [hbm:s6], $0xF7A  }
0x23: {  	s9 =	sor.u32 $0xD0000000, s2;
	s6 =	simm.s32 $0x108;
	_ =	swait.ge @!p0 [sflag:s8], $0x0  }
0x24: {  	s3 =	sadd.s32 $0x88, s3;
	s6 =	simm.s32 @!p1 $0x1082;
	[sflag:s4] =	ssyncset.s32 $0xFFFFF086  }
0x25: {  	[simem:s6], [sflag:s4] =	dma.local [hbm:s3], $0xF7A  }
0x26: {  	[smem:$0x3F9E] =	sst s1;
	(tag) =	ssettag s2;
	_ =	strace s9  }
0x27: {  	s1 =	sld [smem:$0x3FAE]  }
0x28: {  	s2 =	sld [smem:$0x3FAF]  }
0x29: {  	s4 =	sld [smem:$0x3FB1]  }
0x2a: {  	p0 =	seq.s32 s5, $0x0;
	s5 =	sld [smem:$0x3FB2]  }
0x2b: {  	s6 =	sld [smem:$0x3FB3]  }
0x2c: {  	s7 =	sld [smem:$0x3FB4]  }
0x2d: {  	s3 =	simm.s32 $0x108;
	s8 =	sld [smem:$0x3FB5]  }
0x2e: {  	s3 =	simm.s32 @!p0 $0x1082;
	s9 =	sld [smem:$0x3FB6]  }
0x2f: {  	lr =	sadd.s32 s0, s3;
	s0 =	sld [smem:$0x3FAD]  }
0x30: {  	s3 =	sld [smem:$0x3FB0]  }
0x31: {  	[smem:$0x3FB9] =	sst s10  }
0x32: {  	s10 =	sld [smem:$0x3FB7];
	_ =	sdelay $0x3  }
0x33: {  	p0 =	seq.s32 s10, $0x1;
	s10 =	sld [smem:$0x3FB9];
	_ =	sdelay $0x3  }
0x34: {  	[smem:$0x3FB9] =	sst s10  }
0x35: {  	s10 =	sld [smem:$0x3FB8];
	_ =	sdelay $0x3  }
0x36: {  	p1 =	seq.s32 s10, $0x1;
	s10 =	sld [smem:$0x3FB9];
	_ =	sdelay $0x3  }
0x37: {  	[smem:$0x3FB9] =	sst s10  }
0x38: {  	s10 =	sld [smem:$0x3FBA]  }
0x39: {  	_ = 	snop;
	(pc) =	sbr.ind lr, $3  }
0x3a: {  	_ = 	snop  }
0x3b: {  	_ = 	snop  }
0x3c: {  	p2 =	seq.s32 s10, $0x1;
	s10 =	sld [smem:$0x3FB9]  }
0x3d: {  	_ =	shalt  }
0x3e: {  	_ =	shalt  }
0x3f: {  	_ =	shalt  }
0x40: {  	_ =	shalt  }
0x41: {  	_ =	shalt  }
0x42: {  	_ =	shalt  }
0x43: {  	_ =	shalt  }
0x44: {  	_ =	shalt  }
0x45: {  	_ =	shalt  }
0x46: {  	_ =	shalt  }
0x47: {  	_ =	shalt  }
0x48: {  	_ =	shalt  }
0x49: {  	_ =	shalt  }
0x4a: {  	_ =	shalt  }
0x4b: {  	_ =	shalt  }
0x4c: {  	_ =	shalt  }
0x4d: {  	_ =	shalt  }
0x4e: {  	_ =	shalt  }
0x4f: {  	_ =	shalt  }
0x50: {  	_ =	shalt  }
0x51: {  	_ =	shalt  }
0x52: {  	_ =	shalt  }
0x53: {  	_ =	shalt  }
0x54: {  	_ =	shalt  }
0x55: {  	_ =	shalt  }
0x56: {  	_ =	shalt  }
0x57: {  	_ =	shalt  }
0x58: {  	_ =	shalt  }
0x59: {  	_ =	shalt  }
0x5a: {  	_ =	shalt  }
0x5b: {  	_ =	shalt  }
0x5c: {  	_ =	shalt  }
0x5d: {  	_ =	shalt  }
0x5e: {  	_ =	shalt  }
0x5f: {  	_ =	shalt  }
0x60: {  	_ =	shalt  }
0x61: {  	_ =	shalt  }
0x62: {  	_ =	shalt  }
0x63: {  	_ =	shalt  }
0x64: {  	_ =	shalt  }
0x65: {  	_ =	shalt  }
0x66: {  	_ =	shalt  }
0x67: {  	_ =	shalt  }
0x68: {  	_ =	shalt  }
0x69: {  	_ =	shalt  }
0x6a: {  	_ =	shalt  }
0x6b: {  	_ =	shalt  }
0x6c: {  	_ =	shalt  }
0x6d: {  	_ =	shalt  }
0x6e: {  	_ =	shalt  }
0x6f: {  	_ =	shalt  }
0x70: {  	_ =	shalt  }
0x71: {  	_ =	shalt  }
0x72: {  	_ =	shalt  }
0x73: {  	_ =	shalt  }
0x74: {  	_ =	shalt  }
0x75: {  	_ =	shalt  }
0x76: {  	_ =	shalt  }
0x77: {  	_ =	shalt  }
0x78: {  	_ =	shalt  }
0x79: {  	_ =	shalt  }
0x7a: {  	_ =	shalt  }
0x7b: {  	_ =	shalt  }
0x7c: {  	_ =	shalt  }
0x7d: {  	_ =	shalt  }
0x7e: {  	_ =	shalt  }
0x7f: {  	_ =	shalt  }
0x80: {  	_ =	shalt  }
0x81: {  	_ =	shalt  }
0x82: {  	_ =	shalt  }
0x83: {  	_ =	shalt  }
0x84: {  	_ =	shalt  }
0x85: {  	_ =	shalt  }
0x86: {  	_ =	shalt  }
0x87: {  	_ =	shalt  }
.Lfunc_end0:
.L_simem_size_0:
called_computation_lowered:
.L_overlay_start_0:
0x88: {  	s2 =	sld [smem:$0x3FD9]  }
0x89: {  	s3 =	sld [smem:$0x3FFE];
	_ =	sdelay $0x1  }
0x8a: {  	s1 =	srdreg.scid  }
0x8b: {  	s0 =	sand.u32 $0x1, s1  }
0x8c: {  	s17 =	sshll.u32 s0, $0xA;
	s2 =	sadd.s32 s3, s2  }
0x8d: {  	s2 =	sadd.s32 s2, s17  }
0x8e: {  	[smem:$0x3FC5] =	sst s2  }
0x8f: {  	_ = 	snop  }
0x90: {  	s2 =	sld [smem:$0x3FC8]  }
0x91: {  	s18 =	sld [smem:$0x3FC7]  }
0x92: {  	s4 =	sld [smem:$0x3FD0];
	(tm) =	ssettm $0x1  }
0x93: {  	s5 =	sld [smem:$0x3FFB];
	_ =	sdelay $0x3  }
0x94: {  	_ =	strace s5  }
0x95: {  	s5 =	sld [smem:$0x3FFC];
	_ =	sdelay $0x3  }
0x96: {  	_ =	strace s5  }
0x97: {  	s5 =	sld [smem:$0x3FFD];
	_ =	sdelay $0x3  }
0x98: {  	_ =	strace s5  }
0x99: {  	_ =	strace $0x8FFFFFFF  }
0x9a: {  	s19 =	sld [smem:$0x3FDB];
	_ =	sdelay $0x1  }
0x9b: {  	s6 =	simm.s32 $_scs_section_size  }
0x9c: {  	s7 =	simm.s32 $_size__tile_overlayer_lowered;
	s8 =	simm.s32 $_tile_overlayer_lowered  }
0x9d: {  	s22 =	simm.s32 $0x1BFF;
	s21 =	sshll.u32 s8, $0x1;
	s5 =	sadd.s32 s6, s19  }
0x9e: {  	s9 =	simm.s32 $0x0;
	s20 =	sshll.u32 s7, $0x1;
	s7 =	sadd.s32 s21, s5  }
0x9f: {  	[timem:s9], [sflag:s22] =	dma.local [hbm:s7], s20  }
0xa0: {  	_ =	swait.ge [sflag:s22], s20  }
0xa1: {  	s6 =	ssub.s32 $0x0, s20;
	[sflag:s22] =	ssyncset.done $0x0  }
0xa2: {  	[sflag:s22] =	ssyncadd.s32 s6;
	_ =	sdelay $0x1  }
0xa3: {  	s23 =	simm.s32 $0x1B8B  }
0xa4: {  	_ =	swait.ge [sflag:s23], $0x1  }
0xa5: {  	[sflag:s23] =	ssyncset.done $0x0  }
0xa6: {  	s25 =	simm.s32 $0x1B8E;
	s24 =	sld [smem:$0x3FFE];
	[sflag:s23] =	ssyncadd.s32 $0xFFFFFFFF  }
0xa7: {  	s26 =	simm.s32 $execute0_lowered;
	[smem:$0x3FD2] =	sst s25  }
0xa8: {  	s7 =	sshll.u32 s26, $0x1;
	_ =	strace $0x80000046;
	[dreg:$0x1] =	wrdreg $0xFFFFFFFF  }
0xa9: {  	s28 =	simm.s32 $_size_execute0_lowered;
	s5 =	sadd.s32 s5, s7;
	[dreg:$0x0] =	wrdreg $0x0  }
0xaa: {  	s7 =	sshll.u32 s28, $0x1;
	[dreg:$0x2] =	wrdreg s5  }
0xab: {  	[dreg:$0x3] =	wrdreg s7  }
0xac: {  	[dreg:$0x4] =	wrdreg $0xC0  }
0xad: {  	_ =	task [dreg:s9], $0x5FFFF  }
0xae: {  	[dreg:$0x1] =	wrdreg $0xFFFFFFFF  }
0xaf: {  	[dreg:$0x0] =	wrdreg $0x60  }
0xb0: {  	[dreg:$0x2] =	wrdreg s24  }
0xb1: {  	[dreg:$0x3] =	wrdreg s2  }
0xb2: {  	[dreg:$0x4] =	wrdreg s18  }
0xb3: {  	[dreg:$0x5] =	wrdreg s4  }
0xb4: {  	[dreg:$0x6] =	wrdreg $0x9  }
0xb5: {  	_ =	task.clear_ibuf [dreg:s9], $0x7FFFF;
	_ =	strace $0x90000046  }
0xb6: {  	s29 =	simm.s32 $0x9;
	_ =	strace $0x80000048  }
0xb7: {  	_ =	swait.ge [sflag:s29], $0x1  }
0xb8: {  	[sflag:s29] =	ssyncadd.s32 $0xFFFFFFFF  }
0xb9: {  	_ =	strace $0x90000048  }
0xba: {  	_ =	sfence  }
0xbb: {  	s30 =	sld [smem:$0x0];
	_ =	sdelay $0x2  }
0xbc: {  	s31 =	sshll.u32 s1, $0xD;
	s1 =	sshrl.u32 s1, $0x2  }
0xbd: {  	s3 =	sand.u32 $0x4000, s31;
	s1 =	sadd.s32 s1, s30  }
0xbe: {  	s0 =	sor.u32 s3, s0;
	s1 =	sshll.u32 s1, $0x11  }
0xbf: {  	s0 =	sor.u32 s1, s0  }
0xc0: {  	s0 =	sadd.s32 $0x8F2B, s0  }
0xc1: {  	[sflag:s0] =	ssyncadd.remote.s32 $0x1  }
0xc2: {  	_ =	sfence.sel $0xFFFF  }
0xc3: {  	[dreg:$0x0] =	wrdreg $0xFFFFFFFF;
	(pc) =	sbr.abs _section_cstart, $3  }
0xc4: {  	[dreg:$0x1] =	wrdreg $0xFFFFFFFF  }
0xc5: {  	_ =	task.clear_ibuf [dreg:s9], $0x2FFFF;
	_ =	strace $0x9FFFFFFF  }
0xc6: {  	(tm) =	ssettm $0x7FFFFFFF  }
0xc7: {  	_ =	shalt  }
tec
execute0_lowered:
.L_overlay_start_1:
0x0: {  	(tag) =	ssettag $0x1  }
0x1: {  	s3 =	rddreg [dreg:$0x0]  }
0x2: {  	s0 =	rddreg [dreg:$0x1]  }
0x3: {  	s2 =	rddreg [dreg:$0x2]  }
0x4: {  	s5 =	rddreg [dreg:$0x3]  }
0x5: {  	[dreg:$0x5] =	wrdreg s0  }
0x6: {  	[dreg:$0x6] =	wrdreg s2  }
0x7: {  	s1 =	simm.s32 $0x0;
	s0 =	rddreg [dreg:$0x4]  }
0x8: {  	[smem:$0x7FF] =	sst s1;
	s2 =	simm.s32 $0x2800  }
0x9: {  	s4 =	simm.s32 $0xA800;
	_ =	strace $0x80000047;
	[dreg:$0x7] =	wrdreg s2  }
0xa: {  	s6 =	simm.s32 $0x3000;
	[dreg:$0x8] =	wrdreg s4  }
0xb: {  	s7 =	simm.s32 $0xB000;
	[dreg:$0x9] =	wrdreg s6  }
0xc: {  	s8 =	simm.s32 $0x3800;
	[dreg:$0xa] =	wrdreg s7  }
0xd: {  	s9 =	simm.s32 $0xB800;
	[dreg:$0xb] =	wrdreg s8  }
0xe: {  	s10 =	simm.s32 $0x4000;
	[dreg:$0xc] =	wrdreg s9  }
0xf: {  	s11 =	simm.s32 $0xC000;
	[dreg:$0xd] =	wrdreg s10  }
0x10: {  	s12 =	simm.s32 $0x4800;
	[dreg:$0xe] =	wrdreg s11  }
0x11: {  	s13 =	simm.s32 $0xC800;
	[dreg:$0xf] =	wrdreg s12  }
0x12: {  	s14 =	simm.s32 $0x5000;
	[dreg:$0x10] =	wrdreg s13  }
0x13: {  	s15 =	simm.s32 $0xD000;
	[dreg:$0x11] =	wrdreg s14  }
0x14: {  	s16 =	simm.s32 $0xD800;
	[dreg:$0x12] =	wrdreg s15  }
0x15: {  	s17 =	simm.s32 $0x6000;
	[dreg:$0x14] =	wrdreg s16  }
0x16: {  	s18 =	simm.s32 $0xE000;
	[dreg:$0x15] =	wrdreg s17  }
0x17: {  	s19 =	simm.s32 $0x6800;
	[dreg:$0x16] =	wrdreg s18  }
0x18: {  	s20 =	simm.s32 $0xE800;
	[dreg:$0x17] =	wrdreg s19  }
0x19: {  	s22 =	simm.s32 $0x7000;
	[dreg:$0x18] =	wrdreg s20  }
0x1a: {  	s23 =	simm.s32 $0xF000;
	[dreg:$0x19] =	wrdreg s22  }
0x1b: {  	s25 =	simm.s32 $0x7800;
	[dreg:$0x1a] =	wrdreg s23  }
0x1c: {  	s26 =	simm.s32 $0xF800;
	[dreg:$0x1b] =	wrdreg s25  }
0x1d: {  	s28 =	simm.s32 $0x8000;
	[dreg:$0x1c] =	wrdreg s26  }
0x1e: {  	s29 =	simm.s32 $0x10000;
	[dreg:$0x1d] =	wrdreg s28  }
0x1f: {  	s30 =	simm.s32 $0x8800;
	[dreg:$0x1e] =	wrdreg s29  }
0x20: {  	s31 =	simm.s32 $0x10800;
	s4 =	srdreg.scid;
	[dreg:$0x1f] =	wrdreg s30  }
0x21: {  	s6 =	simm.s32 $0x5800;
	s2 =	stileid.u32;
	[smem:$0x7F9] =	sst s31  }
0x22: {  	s9 =	simm.s32 $0x9000;
	s10 =	simm.s32 $0x11000;
	s11 =	simm.s32 $0x9800  }
0x23: {  	s13 =	simm.s32 $0x11800;
	s12 =	simm.s32 $0xA000;
	s14 =	simm.s32 $0x12000  }
0x24: {  	v0 =	vlaneseq.u32;
	s15 =	simm.s32 $0x0;
	[dreg:$0x13] =	wrdreg s6;
	s4 =	sand.u32 $0x1, s4  }
0x25: {  	v0 =	vmul.u32 $0x800, v0;
	s21 =	sshll.u32 s2, $0x1;
	[smem:$0x7FA] =	sst s9;
	s9 =	simm.s32 $0x400  }
0x26: {  	[smem:$0x7FB] =	sst s10;
	s10 =	simm.s32 $0x7A1400;
	s7 =	ssub.s32 $0x2, s4  }
0x27: {  	v1 =	vor.u32 $0x80, v0;
	v2 =	vor.u32 $0x100, v0;
	v3 =	vor.u32 $0x180, v0;
	[smem:$0x7FC] =	sst s11;
	s11 =	simm.s32 $0x2000;
	s8 =	sshrl.u32 s7, $0x1  }
0x28: {  	v4 =	vor.u32 $0x200, v0;
	v5 =	vor.u32 $0x280, v0;
	v6 =	vor.u32 $0x300, v0;
	[smem:$0x7FD] =	sst s13;
	s7 =	ssub.s32 s7, s8;
	s8 =	sor.u32 s4, s21  }
0x29: {  	v7 =	vor.u32 $0x380, v0;
	v8 =	vor.u32 $0x400, v0;
	v9 =	vor.u32 $0x480, v0;
	s13 =	simm.s32 $0x1;
	s24 =	sshll.u32 s8, $0x9;
	s8 =	sshll.u32 s8, $0x6  }
0x2a: {  	v10 =	vor.u32 $0x500, v0;
	v11 =	vor.u32 $0x580, v0;
	v12 =	vor.u32 $0x600, v0;
	s6 =	smax.u32 s7, $0x1;
	s7 =	simm.s32 $0x2;
	s3 =	sadd.s32 s3, s24  }
0x2b: {  	v13 =	vor.u32 $0x680, v0;
	v14 =	vor.u32 $0x700, v0;
	v15 =	vor.u32 $0x780, v0;
	s5 =	sadd.s32 s5, s8;
	s8 =	simm.s32 $0x1000;
	s4 =	sadd.s32 $0x4000, s3  }
.LBB2_1:
0x2c: {  	[tilespmem:s1], [sflag:$0x2] =	stream.linear.gather [hbm4b:s4+s1], $0x1000, $0x38;
	[tilespmem:$0x12200] =	vst v63  }
0x2d: {  	_ =	swait.ge [sflag:s7], $0x1000  }
0x2e: {  	[sflag:s7] =	ssyncset.done $0x0  }
0x2f: {  	[sflag:s7] =	ssyncadd.s32 $0xFFFFF000  }
0x30: {  	[tilespmem:s8], [sflag:$0x2] =	stream.linear.gather [hbm4b:s3+s1], $0x1000, $0x38;
	[tilespmem:$0x12200] =	vst v63  }
0x31: {  	_ =	swait.ge [sflag:s7], $0x1000  }
0x32: {  	[sflag:s7] =	ssyncset.done $0x0  }
0x33: {  	s16 =	simm.s32 $0x0;
	[sflag:s7] =	ssyncadd.s32 $0xFFFFF000  }
0x34: {  	v16 =	vld [tilespmem:s16+$0x0];
	_ =	sdelay $0x1  }
0x35: {  	v17 =	vld [tilespmem:s16+$0x1000];
	_ =	sdelay $0x2  }
0x36: {  	s31 =	rddreg [dreg:$0x5];
	v18 =	vand.u32 $0xFFFFFF80, v16  }
0x37: {  	v18 =	vadd.s32 s31, v18  }
0x38: {  	s17 =	rddreg [dreg:$0x6];
	v19 =	vand.u32 $0xFFFFFF80, v17;
	(v2sf) =	vpush v18, $0x0  }
0x39: {  	v19 =	vadd.s32 s17, v19  }
0x3a: {  	(v2sf) =	vpush v19, $0x0;
	_ =	sdelay $0x1  }
0x3b: {  	(v2sf) =	vpush v18, $0x1;
	_ =	sdelay $0x1  }
0x3c: {  	(v2sf) =	vpush v19, $0x1;
	_ =	sdelay $0x1  }
0x3d: {  	(v2sf) =	vpush v18, $0x2;
	_ =	sdelay $0x1  }
0x3e: {  	(v2sf) =	vpush v19, $0x2;
	_ =	sdelay $0x1  }
0x3f: {  	(v2sf) =	vpush v18, $0x3;
	_ =	sdelay $0x1  }
0x40: {  	(v2sf) =	vpush v19, $0x3  }
0x41: {  	s18 =	spop (v2sf)  }
0x42: {  	(v2sf) =	vpush v18, $0x4;
	[tilespmem:s11], [sflag:$0x1] =	stream.strided.gather [hbm4b:s18+s9], $0x800, s10, s9, $0x38;
	[tilespmem:$0x12200] =	vst v63  }
0x43: {  	s19 =	rddreg [dreg:$0x7];
	s20 =	spop (v2sf)  }
0x44: {  	(v2sf) =	vpush v19, $0x4;
	[tilespmem:s12], [sflag:$0x1] =	stream.strided.gather [hbm4b:s20+s9], $0x800, s10, s9, $0x38;
	[tilespmem:$0x12200] =	vst v63  }
0x45: {  	s21 =	rddreg [dreg:$0x8];
	s18 =	spop (v2sf)  }
0x46: {  	(v2sf) =	vpush v18, $0x5;
	[tilespmem:s19], [sflag:$0x1] =	stream.strided.gather [hbm4b:s18+s9], $0x800, s10, s9, $0x38;
	[tilespmem:$0x12200] =	vst v63  }
0x47: {  	s22 =	rddreg [dreg:$0x9];
	s23 =	spop (v2sf)  }
0x48: {  	(v2sf) =	vpush v19, $0x5;
	[tilespmem:s21], [sflag:$0x1] =	stream.strided.gather [hbm4b:s23+s9], $0x800, s10, s9, $0x38;
	[tilespmem:$0x12200] =	vst v63  }
0x49: {  	s24 =	rddreg [dreg:$0xa];
	s25 =	spop (v2sf)  }
0x4a: {  	(v2sf) =	vpush v18, $0x6;
	[tilespmem:s22], [sflag:$0x1] =	stream.strided.gather [hbm4b:s25+s9], $0x800, s10, s9, $0x38;
	[tilespmem:$0x12200] =	vst v63  }
0x4b: {  	s26 =	rddreg [dreg:$0xb];
	s28 =	spop (v2sf)  }
0x4c: {  	(v2sf) =	vpush v19, $0x6;
	[tilespmem:s24], [sflag:$0x1] =	stream.strided.gather [hbm4b:s28+s9], $0x800, s10, s9, $0x38;
	[tilespmem:$0x12200] =	vst v63  }
0x4d: {  	s29 =	rddreg [dreg:$0xc];
	s30 =	spop (v2sf)  }
0x4e: {  	(v2sf) =	vpush v18, $0x7;
	[tilespmem:s26], [sflag:$0x1] =	stream.strided.gather [hbm4b:s30+s9], $0x800, s10, s9, $0x38;
	[tilespmem:$0x12200] =	vst v63  }
0x4f: {  	s31 =	rddreg [dreg:$0xd];
	s19 =	spop (v2sf)  }
0x50: {  	(v2sf) =	vpush v19, $0x7;
	[tilespmem:s29], [sflag:$0x1] =	stream.strided.gather [hbm4b:s19+s9], $0x800, s10, s9, $0x38;
	[tilespmem:$0x12200] =	vst v63  }
0x51: {  	s20 =	rddreg [dreg:$0xe];
	s21 =	spop (v2sf)  }
0x52: {  	(v2sf) =	vpush v18, $0x8;
	[tilespmem:s31], [sflag:$0x1] =	stream.strided.gather [hbm4b:s21+s9], $0x800, s10, s9, $0x38;
	[tilespmem:$0x12200] =	vst v63  }
0x53: {  	s22 =	rddreg [dreg:$0xf];
	s23 =	spop (v2sf)  }
0x54: {  	(v2sf) =	vpush v19, $0x8;
	[tilespmem:s20], [sflag:$0x1] =	stream.strided.gather [hbm4b:s23+s9], $0x800, s10, s9, $0x38;
	[tilespmem:$0x12200] =	vst v63  }
0x55: {  	s24 =	rddreg [dreg:$0x10];
	s25 =	spop (v2sf)  }
0x56: {  	(v2sf) =	vpush v18, $0x9;
	[tilespmem:s22], [sflag:$0x1] =	stream.strided.gather [hbm4b:s25+s9], $0x800, s10, s9, $0x38;
	[tilespmem:$0x12200] =	vst v63  }
0x57: {  	s26 =	rddreg [dreg:$0x11];
	s28 =	spop (v2sf)  }
0x58: {  	(v2sf) =	vpush v19, $0x9;
	[tilespmem:s24], [sflag:$0x1] =	stream.strided.gather [hbm4b:s28+s9], $0x800, s10, s9, $0x38;
	[tilespmem:$0x12200] =	vst v63  }
0x59: {  	s29 =	rddreg [dreg:$0x12];
	s30 =	spop (v2sf)  }
0x5a: {  	(v2sf) =	vpush v18, $0xA;
	[tilespmem:s26], [sflag:$0x1] =	stream.strided.gather [hbm4b:s30+s9], $0x800, s10, s9, $0x38;
	[tilespmem:$0x12200] =	vst v63  }
0x5b: {  	s31 =	rddreg [dreg:$0x13];
	s19 =	spop (v2sf)  }
0x5c: {  	(v2sf) =	vpush v19, $0xA;
	[tilespmem:s29], [sflag:$0x1] =	stream.strided.gather [hbm4b:s19+s9], $0x800, s10, s9, $0x38;
	[tilespmem:$0x12200] =	vst v63  }
0x5d: {  	s20 =	rddreg [dreg:$0x14];
	s21 =	spop (v2sf)  }
0x5e: {  	(v2sf) =	vpush v18, $0xB;
	[tilespmem:s31], [sflag:$0x1] =	stream.strided.gather [hbm4b:s21+s9], $0x800, s10, s9, $0x38;
	[tilespmem:$0x12200] =	vst v63  }
0x5f: {  	s22 =	rddreg [dreg:$0x15];
	s23 =	spop (v2sf)  }
0x60: {  	(v2sf) =	vpush v19, $0xB;
	[tilespmem:s20], [sflag:$0x1] =	stream.strided.gather [hbm4b:s23+s9], $0x800, s10, s9, $0x38;
	[tilespmem:$0x12200] =	vst v63  }
0x61: {  	s24 =	rddreg [dreg:$0x16];
	s25 =	spop (v2sf)  }
0x62: {  	(v2sf) =	vpush v18, $0xC;
	[tilespmem:s22], [sflag:$0x1] =	stream.strided.gather [hbm4b:s25+s9], $0x800, s10, s9, $0x38;
	[tilespmem:$0x12200] =	vst v63  }
0x63: {  	s26 =	rddreg [dreg:$0x17];
	s28 =	spop (v2sf)  }
0x64: {  	(v2sf) =	vpush v19, $0xC;
	[tilespmem:s24], [sflag:$0x1] =	stream.strided.gather [hbm4b:s28+s9], $0x800, s10, s9, $0x38;
	[tilespmem:$0x12200] =	vst v63  }
0x65: {  	s29 =	rddreg [dreg:$0x18];
	s30 =	spop (v2sf)  }
0x66: {  	(v2sf) =	vpush v18, $0xD;
	[tilespmem:s26], [sflag:$0x1] =	stream.strided.gather [hbm4b:s30+s9], $0x800, s10, s9, $0x38;
	[tilespmem:$0x12200] =	vst v63  }
0x67: {  	s31 =	rddreg [dreg:$0x19];
	s19 =	spop (v2sf)  }
0x68: {  	(v2sf) =	vpush v19, $0xD;
	[tilespmem:s29], [sflag:$0x1] =	stream.strided.gather [hbm4b:s19+s9], $0x800, s10, s9, $0x38;
	[tilespmem:$0x12200] =	vst v63  }
0x69: {  	s20 =	rddreg [dreg:$0x1a];
	s21 =	spop (v2sf)  }
0x6a: {  	(v2sf) =	vpush v18, $0xE;
	[tilespmem:s31], [sflag:$0x1] =	stream.strided.gather [hbm4b:s21+s9], $0x800, s10, s9, $0x38;
	[tilespmem:$0x12200] =	vst v63  }
0x6b: {  	s22 =	rddreg [dreg:$0x1b];
	s23 =	spop (v2sf)  }
0x6c: {  	(v2sf) =	vpush v19, $0xE;
	[tilespmem:s20], [sflag:$0x1] =	stream.strided.gather [hbm4b:s23+s9], $0x800, s10, s9, $0x38;
	[tilespmem:$0x12200] =	vst v63  }
0x6d: {  	s24 =	rddreg [dreg:$0x1c];
	s25 =	spop (v2sf)  }
0x6e: {  	(v2sf) =	vpush v18, $0xF;
	[tilespmem:s22], [sflag:$0x1] =	stream.strided.gather [hbm4b:s25+s9], $0x800, s10, s9, $0x38;
	[tilespmem:$0x12200] =	vst v63  }
0x6f: {  	s26 =	rddreg [dreg:$0x1d];
	s28 =	spop (v2sf)  }
0x70: {  	(v2sf) =	vpush v19, $0xF;
	[tilespmem:s24], [sflag:$0x1] =	stream.strided.gather [hbm4b:s28+s9], $0x800, s10, s9, $0x38;
	[tilespmem:$0x12200] =	vst v63  }
0x71: {  	s29 =	rddreg [dreg:$0x1e];
	s30 =	spop (v2sf)  }
0x72: {  	[tilespmem:s26], [sflag:$0x1] =	stream.strided.gather [hbm4b:s30+s9], $0x800, s10, s9, $0x38;
	[tilespmem:$0x12200] =	vst v63  }
0x73: {  	s31 =	rddreg [dreg:$0x1f];
	s19 =	spop (v2sf)  }
0x74: {  	[tilespmem:s29], [sflag:$0x1] =	stream.strided.gather [hbm4b:s19+s9], $0x800, s10, s9, $0x38;
	[tilespmem:$0x12200] =	vst v63  }
0x75: {  	s20 =	sld [smem:$0x7F9];
	s21 =	spop (v2sf)  }
0x76: {  	[tilespmem:s31], [sflag:$0x1] =	stream.strided.gather [hbm4b:s21+s9], $0x800, s10, s9, $0x38;
	[tilespmem:$0x12200] =	vst v63  }
0x77: {  	s22 =	sld [smem:$0x7FA];
	s23 =	spop (v2sf)  }
0x78: {  	[tilespmem:s20], [sflag:$0x1] =	stream.strided.gather [hbm4b:s23+s9], $0x800, s10, s9, $0x38;
	[tilespmem:$0x12200] =	vst v63  }
0x79: {  	s24 =	sld [smem:$0x7FB];
	s25 =	spop (v2sf)  }
0x7a: {  	[tilespmem:s22], [sflag:$0x1] =	stream.strided.gather [hbm4b:s25+s9], $0x800, s10, s9, $0x38;
	[tilespmem:$0x12200] =	vst v63  }
0x7b: {  	s26 =	sld [smem:$0x7FC];
	s28 =	spop (v2sf)  }
0x7c: {  	[tilespmem:s24], [sflag:$0x1] =	stream.strided.gather [hbm4b:s28+s9], $0x800, s10, s9, $0x38;
	[tilespmem:$0x12200] =	vst v63  }
0x7d: {  	s29 =	sld [smem:$0x7FD];
	s30 =	spop (v2sf)  }
0x7e: {  	[tilespmem:s26], [sflag:$0x1] =	stream.strided.gather [hbm4b:s30+s9], $0x800, s10, s9, $0x38;
	[tilespmem:$0x12200] =	vst v63  }
0x7f: {  	s31 =	spop (v2sf)  }
0x80: {  	[tilespmem:s29], [sflag:$0x1] =	stream.strided.gather [hbm4b:s31+s9], $0x800, s10, s9, $0x38;
	[tilespmem:$0x12200] =	vst v63  }
0x81: {  	_ =	swait.ge [sflag:s13], $0x800  }
0x82: {  	[sflag:s13] =	ssyncset.done $0x0  }
0x83: {  	[sflag:s13] =	ssyncadd.s32 $0xFFFFF800  }
0x84: {  	_ =	swait.ge [sflag:s13], $0x800  }
0x85: {  	[sflag:s13] =	ssyncset.done $0x0  }
0x86: {  	[sflag:s13] =	ssyncadd.s32 $0xFFFFF800  }
0x87: {  	_ =	swait.ge [sflag:s13], $0x800  }
0x88: {  	[sflag:s13] =	ssyncset.done $0x0  }
0x89: {  	[sflag:s13] =	ssyncadd.s32 $0xFFFFF800  }
0x8a: {  	_ =	swait.ge [sflag:s13], $0x800  }
0x8b: {  	[sflag:s13] =	ssyncset.done $0x0  }
0x8c: {  	[sflag:s13] =	ssyncadd.s32 $0xFFFFF800  }
0x8d: {  	_ =	swait.ge [sflag:s13], $0x800  }
0x8e: {  	[sflag:s13] =	ssyncset.done $0x0  }
0x8f: {  	[sflag:s13] =	ssyncadd.s32 $0xFFFFF800  }
0x90: {  	_ =	swait.ge [sflag:s13], $0x800  }
0x91: {  	[sflag:s13] =	ssyncset.done $0x0  }
0x92: {  	[sflag:s13] =	ssyncadd.s32 $0xFFFFF800  }
0x93: {  	_ =	swait.ge [sflag:s13], $0x800  }
0x94: {  	[sflag:s13] =	ssyncset.done $0x0  }
0x95: {  	[sflag:s13] =	ssyncadd.s32 $0xFFFFF800  }
0x96: {  	_ =	swait.ge [sflag:s13], $0x800  }
0x97: {  	[sflag:s13] =	ssyncset.done $0x0  }
0x98: {  	[sflag:s13] =	ssyncadd.s32 $0xFFFFF800  }
0x99: {  	_ =	swait.ge [sflag:s13], $0x800  }
0x9a: {  	[sflag:s13] =	ssyncset.done $0x0  }
0x9b: {  	[sflag:s13] =	ssyncadd.s32 $0xFFFFF800  }
0x9c: {  	_ =	swait.ge [sflag:s13], $0x800  }
0x9d: {  	[sflag:s13] =	ssyncset.done $0x0  }
0x9e: {  	[sflag:s13] =	ssyncadd.s32 $0xFFFFF800  }
0x9f: {  	_ =	swait.ge [sflag:s13], $0x800  }
0xa0: {  	[sflag:s13] =	ssyncset.done $0x0  }
0xa1: {  	[sflag:s13] =	ssyncadd.s32 $0xFFFFF800  }
0xa2: {  	_ =	swait.ge [sflag:s13], $0x800  }
0xa3: {  	[sflag:s13] =	ssyncset.done $0x0  }
0xa4: {  	[sflag:s13] =	ssyncadd.s32 $0xFFFFF800  }
0xa5: {  	_ =	swait.ge [sflag:s13], $0x800  }
0xa6: {  	[sflag:s13] =	ssyncset.done $0x0  }
0xa7: {  	[sflag:s13] =	ssyncadd.s32 $0xFFFFF800  }
0xa8: {  	_ =	swait.ge [sflag:s13], $0x800  }
0xa9: {  	[sflag:s13] =	ssyncset.done $0x0  }
0xaa: {  	[sflag:s13] =	ssyncadd.s32 $0xFFFFF800  }
0xab: {  	_ =	swait.ge [sflag:s13], $0x800  }
0xac: {  	[sflag:s13] =	ssyncset.done $0x0  }
0xad: {  	[sflag:s13] =	ssyncadd.s32 $0xFFFFF800  }
0xae: {  	_ =	swait.ge [sflag:s13], $0x800  }
0xaf: {  	[sflag:s13] =	ssyncset.done $0x0  }
0xb0: {  	[sflag:s13] =	ssyncadd.s32 $0xFFFFF800  }
0xb1: {  	_ =	swait.ge [sflag:s13], $0x800  }
0xb2: {  	[sflag:s13] =	ssyncset.done $0x0  }
0xb3: {  	[sflag:s13] =	ssyncadd.s32 $0xFFFFF800  }
0xb4: {  	_ =	swait.ge [sflag:s13], $0x800  }
0xb5: {  	[sflag:s13] =	ssyncset.done $0x0  }
0xb6: {  	[sflag:s13] =	ssyncadd.s32 $0xFFFFF800  }
0xb7: {  	_ =	swait.ge [sflag:s13], $0x800  }
0xb8: {  	[sflag:s13] =	ssyncset.done $0x0  }
0xb9: {  	[sflag:s13] =	ssyncadd.s32 $0xFFFFF800  }
0xba: {  	_ =	swait.ge [sflag:s13], $0x800  }
0xbb: {  	[sflag:s13] =	ssyncset.done $0x0  }
0xbc: {  	[sflag:s13] =	ssyncadd.s32 $0xFFFFF800  }
0xbd: {  	_ =	swait.ge [sflag:s13], $0x800  }
0xbe: {  	[sflag:s13] =	ssyncset.done $0x0  }
0xbf: {  	[sflag:s13] =	ssyncadd.s32 $0xFFFFF800  }
0xc0: {  	_ =	swait.ge [sflag:s13], $0x800  }
0xc1: {  	[sflag:s13] =	ssyncset.done $0x0  }
0xc2: {  	[sflag:s13] =	ssyncadd.s32 $0xFFFFF800  }
0xc3: {  	_ =	swait.ge [sflag:s13], $0x800  }
0xc4: {  	[sflag:s13] =	ssyncset.done $0x0  }
0xc5: {  	[sflag:s13] =	ssyncadd.s32 $0xFFFFF800  }
0xc6: {  	_ =	swait.ge [sflag:s13], $0x800  }
0xc7: {  	[sflag:s13] =	ssyncset.done $0x0  }
0xc8: {  	[sflag:s13] =	ssyncadd.s32 $0xFFFFF800  }
0xc9: {  	_ =	swait.ge [sflag:s13], $0x800  }
0xca: {  	[sflag:s13] =	ssyncset.done $0x0  }
0xcb: {  	[sflag:s13] =	ssyncadd.s32 $0xFFFFF800  }
0xcc: {  	_ =	swait.ge [sflag:s13], $0x800  }
0xcd: {  	[sflag:s13] =	ssyncset.done $0x0  }
0xce: {  	[sflag:s13] =	ssyncadd.s32 $0xFFFFF800  }
0xcf: {  	_ =	swait.ge [sflag:s13], $0x800  }
0xd0: {  	[sflag:s13] =	ssyncset.done $0x0  }
0xd1: {  	[sflag:s13] =	ssyncadd.s32 $0xFFFFF800  }
0xd2: {  	_ =	swait.ge [sflag:s13], $0x800  }
0xd3: {  	[sflag:s13] =	ssyncset.done $0x0  }
0xd4: {  	[sflag:s13] =	ssyncadd.s32 $0xFFFFF800  }
0xd5: {  	_ =	swait.ge [sflag:s13], $0x800  }
0xd6: {  	[sflag:s13] =	ssyncset.done $0x0  }
0xd7: {  	[sflag:s13] =	ssyncadd.s32 $0xFFFFF800  }
0xd8: {  	_ =	swait.ge [sflag:s13], $0x800  }
0xd9: {  	[sflag:s13] =	ssyncset.done $0x0  }
0xda: {  	[sflag:s13] =	ssyncadd.s32 $0xFFFFF800  }
0xdb: {  	v17 =	vand.u32 $0x7F, v17;
	_ =	swait.ge [sflag:s13], $0x800  }
0xdc: {  	v16 =	vand.u32 $0x7F, v16;
	v32 =	vor.u32 v1, v17;
	[sflag:s13] =	ssyncset.done $0x0  }
0xdd: {  	v33 =	vor.u32 v0, v16;
	[sflag:s13] =	ssyncadd.s32 $0xFFFFF800  }
0xde: {  	v20 =	vor.u32 v1, v16;
	_ =	swait.ge [sflag:s13], $0x800  }
0xdf: {  	v21 =	vor.u32 v0, v17;
	[sflag:s13] =	ssyncset.done $0x0  }
0xe0: {  	v22 =	vor.u32 v2, v17;
	[sflag:s13] =	ssyncadd.s32 $0xFFFFF800  }
0xe1: {  	v23 =	vor.u32 v2, v16;
	v18 =	vld.idx.msk [tilespmem:v32+s12+$0x0], $0xffff  }
0xe2: {  	v24 =	vor.u32 v3, v16;
	v19 =	vld.idx.msk [tilespmem:v33+s11+$0x0], $0xffff  }
0xe3: {  	v25 =	vor.u32 v3, v17;
	v20 =	vld.idx.msk [tilespmem:v20+s11+$0x0], $0xffff  }
0xe4: {  	v26 =	vor.u32 v4, v16;
	v21 =	vld.idx.msk [tilespmem:v21+s12+$0x0], $0xffff  }
0xe5: {  	v27 =	vor.u32 v4, v17;
	v22 =	vld.idx.msk [tilespmem:v22+s12+$0x0], $0xffff  }
0xe6: {  	v28 =	vor.u32 v5, v16;
	v23 =	vld.idx.msk [tilespmem:v23+s11+$0x0], $0xffff  }
0xe7: {  	v29 =	vor.u32 v5, v17;
	v24 =	vld.idx.msk [tilespmem:v24+s11+$0x0], $0xffff  }
0xe8: {  	v30 =	vor.u32 v6, v16;
	v25 =	vld.idx.msk [tilespmem:v25+s12+$0x0], $0xffff  }
0xe9: {  	v31 =	vor.u32 v6, v17;
	v26 =	vld.idx.msk [tilespmem:v26+s11+$0x0], $0xffff;
	v18 =	vmul.f32 v18, v20;
	v19 =	vmul.f32 v21, v19  }
0xea: {  	v37 =	vor.u32 v7, v17;
	v34 =	vld.idx.msk [tilespmem:v27+s12+$0x0], $0xffff  }
0xeb: {  	v35 =	vor.u32 v7, v16;
	v36 =	vld.idx.msk [tilespmem:v28+s11+$0x0], $0xffff;
	v22 =	vmul.f32 v22, v23;
	v18 =	vadd.f32 v18, v19  }
0xec: {  	v41 =	vor.u32 v8, v17;
	v38 =	vld.idx.msk [tilespmem:v29+s12+$0x0], $0xffff  }
0xed: {  	v39 =	vor.u32 v8, v16;
	v40 =	vld.idx.msk [tilespmem:v30+s11+$0x0], $0xffff;
	v24 =	vmul.f32 v25, v24;
	v18 =	vadd.f32 v22, v18  }
0xee: {  	v44 =	vor.u32 v9, v17;
	v42 =	vld.idx.msk [tilespmem:v31+s12+$0x0], $0xffff  }
0xef: {  	v43 =	vor.u32 v9, v16;
	v45 =	vld.idx.msk [tilespmem:v37+s12+$0x0], $0xffff;
	v20 =	vmul.f32 v34, v26;
	v18 =	vadd.f32 v24, v18  }
0xf0: {  	v47 =	vor.u32 v10, v17;
	v21 =	vld.idx.msk [tilespmem:v35+s11+$0x0], $0xffff  }
0xf1: {  	v46 =	vor.u32 v10, v16;
	v48 =	vld.idx.msk [tilespmem:v41+s12+$0x0], $0xffff;
	v19 =	vmul.f32 v38, v36;
	v18 =	vadd.f32 v20, v18  }
0xf2: {  	v49 =	vor.u32 v11, v16;
	v23 =	vld.idx.msk [tilespmem:v39+s11+$0x0], $0xffff  }
0xf3: {  	v50 =	vor.u32 v11, v17;
	v51 =	vld.idx.msk [tilespmem:v44+s12+$0x0], $0xffff;
	v22 =	vmul.f32 v42, v40;
	v18 =	vadd.f32 v19, v18  }
0xf4: {  	v52 =	vor.u32 v12, v16;
	v25 =	vld.idx.msk [tilespmem:v43+s11+$0x0], $0xffff  }
0xf5: {  	v53 =	vor.u32 v12, v17;
	v54 =	vld.idx.msk [tilespmem:v47+s12+$0x0], $0xffff;
	v21 =	vmul.f32 v45, v21;
	v18 =	vadd.f32 v22, v18  }
0xf6: {  	v56 =	vor.u32 v13, v17;
	v26 =	vld.idx.msk [tilespmem:v46+s11+$0x0], $0xffff  }
0xf7: {  	v55 =	vor.u32 v13, v16;
	v27 =	vld.idx.msk [tilespmem:v49+s11+$0x0], $0xffff;
	v20 =	vmul.f32 v48, v23;
	v18 =	vadd.f32 v21, v18  }
0xf8: {  	v59 =	vor.u32 v14, v17;
	v57 =	vld.idx.msk [tilespmem:v50+s12+$0x0], $0xffff  }
0xf9: {  	v58 =	vor.u32 v14, v16;
	v29 =	vld.idx.msk [tilespmem:v52+s11+$0x0], $0xffff;
	v19 =	vmul.f32 v51, v25;
	v18 =	vadd.f32 v20, v18  }
0xfa: {  	v16 =	vor.u32 v15, v16;
	v60 =	vld.idx.msk [tilespmem:v53+s12+$0x0], $0xffff  }
0xfb: {  	v17 =	vor.u32 v15, v17;
	v61 =	vld.idx.msk [tilespmem:v56+s12+$0x0], $0xffff;
	v22 =	vmul.f32 v54, v26;
	v18 =	vadd.f32 v19, v18  }
0xfc: {  	v24 =	vld.idx.msk [tilespmem:v55+s11+$0x0], $0xffff  }
0xfd: {  	v62 =	vld.idx.msk [tilespmem:v59+s12+$0x0], $0xffff;
	v21 =	vmul.f32 v57, v27;
	v18 =	vadd.f32 v22, v18  }
0xfe: {  	v23 =	vld.idx.msk [tilespmem:v58+s11+$0x0], $0xffff  }
0xff: {  	v16 =	vld.idx.msk [tilespmem:v16+s11+$0x0], $0xffff;
	v20 =	vmul.f32 v60, v29;
	v18 =	vadd.f32 v21, v18  }
0x100: {  	v17 =	vld.idx.msk [tilespmem:v17+s12+$0x0], $0xffff  }
0x101: {  	v19 =	vmul.f32 v61, v24;
	v18 =	vadd.f32 v20, v18;
	_ =	sdelay $0x1  }
0x102: {  	v63 =	vmul.f32 v62, v23;
	v18 =	vadd.f32 v19, v18;
	_ =	sdelay $0x1  }
0x103: {  	v16 =	vmul.f32 v17, v16;
	v17 =	vadd.f32 v63, v18;
	_ =	sdelay $0x1  }
0x104: {  	v16 =	vadd.f32 v16, v17;
	_ =	sdelay $0x1  }
0x105: {  	v16 =	vsub.f32 $0.0e+00, v16;
	_ =	sdelay $0x1  }
0x106: {  	v16 =	vmul.f32 $1.442695020e+00, v16;
	_ =	sdelay $0x1  }
0x107: {  	(erf) = vpow2.f32 v16;
	_ =	sdelay $0x8  }
0x108: {  	v16 =	vpop (erf)  }
0x109: {  	v16 =	vadd.f32 $1.000000000e+00, v16;
	_ =	sdelay $0x1  }
0x10a: {  	s16 =	simm.s32 $0x200;
	s17 =	simm.s32 $0x12000;
	s18 =	simm.s32 $0x12000;
	(erf) = vrcp.f32 v16  }
.LBB2_2:
0x10b: {  	_ =	sdelay $0x7  }
0x10c: {  	s19 =	smov.u32 s16;
	v16 =	vpop (erf)  }
0x10d: {  	s19 =	sshra.s32 s19, $0x2;
	[tilespmem:s17+$0x0] =	vst v16  }
0x10e: {  	v17 =	vld [tilespmem:s19+$0x0];
	_ =	sdelay $0x1  }
0x10f: {  	v19 =	vld [tilespmem:s19+$0x1000];
	_ =	sdelay $0x2  }
0x110: {  	s23 =	rddreg [dreg:$0x5];
	v16 =	vand.u32 $0x7F, v17;
	v17 =	vand.u32 $0xFFFFFF80, v17  }
0x111: {  	v18 =	vadd.s32 s23, v17  }
0x112: {  	s20 =	rddreg [dreg:$0x6];
	v17 =	vand.u32 $0x7F, v19;
	v19 =	vand.u32 $0xFFFFFF80, v19;
	(v2sf) =	vpush v18, $0x0  }
0x113: {  	v19 =	vadd.s32 s20, v19  }
0x114: {  	(v2sf) =	vpush v19, $0x0;
	_ =	sdelay $0x1  }
0x115: {  	(v2sf) =	vpush v18, $0x1;
	_ =	sdelay $0x1  }
0x116: {  	(v2sf) =	vpush v19, $0x1;
	_ =	sdelay $0x1  }
0x117: {  	(v2sf) =	vpush v18, $0x2;
	_ =	sdelay $0x1  }
0x118: {  	(v2sf) =	vpush v19, $0x2;
	_ =	sdelay $0x1  }
0x119: {  	(v2sf) =	vpush v18, $0x3;
	_ =	sdelay $0x1  }
0x11a: {  	(v2sf) =	vpush v19, $0x3  }
0x11b: {  	s24 =	spop (v2sf)  }
0x11c: {  	(v2sf) =	vpush v18, $0x4;
	[tilespmem:s11], [sflag:$0x1] =	stream.strided.gather [hbm4b:s24+s9], $0x800, s10, s9, $0x38;
	[tilespmem:$0x12200] =	vst v63  }
0x11d: {  	s25 =	rddreg [dreg:$0x7];
	s26 =	spop (v2sf)  }
0x11e: {  	(v2sf) =	vpush v19, $0x4;
	[tilespmem:s12], [sflag:$0x1] =	stream.strided.gather [hbm4b:s26+s9], $0x800, s10, s9, $0x38;
	[tilespmem:$0x12200] =	vst v63  }
0x11f: {  	s28 =	rddreg [dreg:$0x8];
	s21 =	spop (v2sf)  }
0x120: {  	(v2sf) =	vpush v18, $0x5;
	[tilespmem:s25], [sflag:$0x1] =	stream.strided.gather [hbm4b:s21+s9], $0x800, s10, s9, $0x38;
	[tilespmem:$0x12200] =	vst v63  }
0x121: {  	s29 =	rddreg [dreg:$0x9];
	s30 =	spop (v2sf)  }
0x122: {  	(v2sf) =	vpush v19, $0x5;
	[tilespmem:s28], [sflag:$0x1] =	stream.strided.gather [hbm4b:s30+s9], $0x800, s10, s9, $0x38;
	[tilespmem:$0x12200] =	vst v63  }
0x123: {  	s31 =	rddreg [dreg:$0xa];
	s22 =	spop (v2sf)  }
0x124: {  	(v2sf) =	vpush v18, $0x6;
	[tilespmem:s29], [sflag:$0x1] =	stream.strided.gather [hbm4b:s22+s9], $0x800, s10, s9, $0x38;
	[tilespmem:$0x12200] =	vst v63  }
0x125: {  	s23 =	rddreg [dreg:$0xb];
	s24 =	spop (v2sf)  }
0x126: {  	(v2sf) =	vpush v19, $0x6;
	[tilespmem:s31], [sflag:$0x1] =	stream.strided.gather [hbm4b:s24+s9], $0x800, s10, s9, $0x38;
	[tilespmem:$0x12200] =	vst v63  }
0x127: {  	s25 =	rddreg [dreg:$0xc];
	s26 =	spop (v2sf)  }
0x128: {  	(v2sf) =	vpush v18, $0x7;
	[tilespmem:s23], [sflag:$0x1] =	stream.strided.gather [hbm4b:s26+s9], $0x800, s10, s9, $0x38;
	[tilespmem:$0x12200] =	vst v63  }
0x129: {  	s28 =	rddreg [dreg:$0xd];
	s29 =	spop (v2sf)  }
0x12a: {  	(v2sf) =	vpush v19, $0x7;
	[tilespmem:s25], [sflag:$0x1] =	stream.strided.gather [hbm4b:s29+s9], $0x800, s10, s9, $0x38;
	[tilespmem:$0x12200] =	vst v63  }
0x12b: {  	s30 =	rddreg [dreg:$0xe];
	s31 =	spop (v2sf)  }
0x12c: {  	(v2sf) =	vpush v18, $0x8;
	[tilespmem:s28], [sflag:$0x1] =	stream.strided.gather [hbm4b:s31+s9], $0x800, s10, s9, $0x38;
	[tilespmem:$0x12200] =	vst v63  }
0x12d: {  	s22 =	rddreg [dreg:$0xf];
	s23 =	spop (v2sf)  }
0x12e: {  	(v2sf) =	vpush v19, $0x8;
	[tilespmem:s30], [sflag:$0x1] =	stream.strided.gather [hbm4b:s23+s9], $0x800, s10, s9, $0x38;
	[tilespmem:$0x12200] =	vst v63  }
0x12f: {  	s24 =	rddreg [dreg:$0x10];
	s25 =	spop (v2sf)  }
0x130: {  	(v2sf) =	vpush v18, $0x9;
	[tilespmem:s22], [sflag:$0x1] =	stream.strided.gather [hbm4b:s25+s9], $0x800, s10, s9, $0x38;
	[tilespmem:$0x12200] =	vst v63  }
0x131: {  	s26 =	rddreg [dreg:$0x11];
	s28 =	spop (v2sf)  }
0x132: {  	(v2sf) =	vpush v19, $0x9;
	[tilespmem:s24], [sflag:$0x1] =	stream.strided.gather [hbm4b:s28+s9], $0x800, s10, s9, $0x38;
	[tilespmem:$0x12200] =	vst v63  }
0x133: {  	s29 =	rddreg [dreg:$0x12];
	s30 =	spop (v2sf)  }
0x134: {  	(v2sf) =	vpush v18, $0xA;
	[tilespmem:s26], [sflag:$0x1] =	stream.strided.gather [hbm4b:s30+s9], $0x800, s10, s9, $0x38;
	[tilespmem:$0x12200] =	vst v63  }
0x135: {  	s31 =	rddreg [dreg:$0x13];
	s22 =	spop (v2sf)  }
0x136: {  	(v2sf) =	vpush v19, $0xA;
	[tilespmem:s29], [sflag:$0x1] =	stream.strided.gather [hbm4b:s22+s9], $0x800, s10, s9, $0x38;
	[tilespmem:$0x12200] =	vst v63  }
0x137: {  	s23 =	rddreg [dreg:$0x14];
	s24 =	spop (v2sf)  }
0x138: {  	(v2sf) =	vpush v18, $0xB;
	[tilespmem:s31], [sflag:$0x1] =	stream.strided.gather [hbm4b:s24+s9], $0x800, s10, s9, $0x38;
	[tilespmem:$0x12200] =	vst v63  }
0x139: {  	s25 =	rddreg [dreg:$0x15];
	s26 =	spop (v2sf)  }
0x13a: {  	(v2sf) =	vpush v19, $0xB;
	[tilespmem:s23], [sflag:$0x1] =	stream.strided.gather [hbm4b:s26+s9], $0x800, s10, s9, $0x38;
	[tilespmem:$0x12200] =	vst v63  }
0x13b: {  	s28 =	rddreg [dreg:$0x16];
	s29 =	spop (v2sf)  }
0x13c: {  	(v2sf) =	vpush v18, $0xC;
	[tilespmem:s25], [sflag:$0x1] =	stream.strided.gather [hbm4b:s29+s9], $0x800, s10, s9, $0x38;
	[tilespmem:$0x12200] =	vst v63  }
0x13d: {  	s30 =	rddreg [dreg:$0x17];
	s31 =	spop (v2sf)  }
0x13e: {  	(v2sf) =	vpush v19, $0xC;
	[tilespmem:s28], [sflag:$0x1] =	stream.strided.gather [hbm4b:s31+s9], $0x800, s10, s9, $0x38;
	[tilespmem:$0x12200] =	vst v63  }
0x13f: {  	s22 =	rddreg [dreg:$0x18];
	s23 =	spop (v2sf)  }
0x140: {  	(v2sf) =	vpush v18, $0xD;
	[tilespmem:s30], [sflag:$0x1] =	stream.strided.gather [hbm4b:s23+s9], $0x800, s10, s9, $0x38;
	[tilespmem:$0x12200] =	vst v63  }
0x141: {  	s24 =	rddreg [dreg:$0x19];
	s25 =	spop (v2sf)  }
0x142: {  	(v2sf) =	vpush v19, $0xD;
	[tilespmem:s22], [sflag:$0x1] =	stream.strided.gather [hbm4b:s25+s9], $0x800, s10, s9, $0x38;
	[tilespmem:$0x12200] =	vst v63  }
0x143: {  	s26 =	rddreg [dreg:$0x1a];
	s28 =	spop (v2sf)  }
0x144: {  	(v2sf) =	vpush v18, $0xE;
	[tilespmem:s24], [sflag:$0x1] =	stream.strided.gather [hbm4b:s28+s9], $0x800, s10, s9, $0x38;
	[tilespmem:$0x12200] =	vst v63  }
0x145: {  	s29 =	rddreg [dreg:$0x1b];
	s30 =	spop (v2sf)  }
0x146: {  	(v2sf) =	vpush v19, $0xE;
	[tilespmem:s26], [sflag:$0x1] =	stream.strided.gather [hbm4b:s30+s9], $0x800, s10, s9, $0x38;
	[tilespmem:$0x12200] =	vst v63  }
0x147: {  	s31 =	rddreg [dreg:$0x1c];
	s22 =	spop (v2sf)  }
0x148: {  	(v2sf) =	vpush v18, $0xF;
	[tilespmem:s29], [sflag:$0x1] =	stream.strided.gather [hbm4b:s22+s9], $0x800, s10, s9, $0x38;
	[tilespmem:$0x12200] =	vst v63  }
0x149: {  	s23 =	rddreg [dreg:$0x1d];
	s24 =	spop (v2sf)  }
0x14a: {  	(v2sf) =	vpush v19, $0xF;
	[tilespmem:s31], [sflag:$0x1] =	stream.strided.gather [hbm4b:s24+s9], $0x800, s10, s9, $0x38;
	[tilespmem:$0x12200] =	vst v63  }
0x14b: {  	s25 =	rddreg [dreg:$0x1e];
	s26 =	spop (v2sf)  }
0x14c: {  	[tilespmem:s23], [sflag:$0x1] =	stream.strided.gather [hbm4b:s26+s9], $0x800, s10, s9, $0x38;
	[tilespmem:$0x12200] =	vst v63  }
0x14d: {  	s28 =	rddreg [dreg:$0x1f];
	s29 =	spop (v2sf)  }
0x14e: {  	[tilespmem:s25], [sflag:$0x1] =	stream.strided.gather [hbm4b:s29+s9], $0x800, s10, s9, $0x38;
	[tilespmem:$0x12200] =	vst v63  }
0x14f: {  	s30 =	sld [smem:$0x7F9];
	s31 =	spop (v2sf)  }
0x150: {  	[tilespmem:s28], [sflag:$0x1] =	stream.strided.gather [hbm4b:s31+s9], $0x800, s10, s9, $0x38;
	[tilespmem:$0x12200] =	vst v63  }
0x151: {  	s22 =	sld [smem:$0x7FA];
	s23 =	spop (v2sf)  }
0x152: {  	[tilespmem:s30], [sflag:$0x1] =	stream.strided.gather [hbm4b:s23+s9], $0x800, s10, s9, $0x38;
	[tilespmem:$0x12200] =	vst v63  }
0x153: {  	s24 =	sld [smem:$0x7FB];
	s25 =	spop (v2sf)  }
0x154: {  	[tilespmem:s22], [sflag:$0x1] =	stream.strided.gather [hbm4b:s25+s9], $0x800, s10, s9, $0x38;
	[tilespmem:$0x12200] =	vst v63  }
0x155: {  	s26 =	sld [smem:$0x7FC];
	s28 =	spop (v2sf)  }
0x156: {  	[tilespmem:s24], [sflag:$0x1] =	stream.strided.gather [hbm4b:s28+s9], $0x800, s10, s9, $0x38;
	[tilespmem:$0x12200] =	vst v63  }
0x157: {  	s29 =	sld [smem:$0x7FD];
	s30 =	spop (v2sf)  }
0x158: {  	[tilespmem:s26], [sflag:$0x1] =	stream.strided.gather [hbm4b:s30+s9], $0x800, s10, s9, $0x38;
	[tilespmem:$0x12200] =	vst v63  }
0x159: {  	s31 =	spop (v2sf)  }
0x15a: {  	[tilespmem:s29], [sflag:$0x1] =	stream.strided.gather [hbm4b:s31+s9], $0x800, s10, s9, $0x38;
	[tilespmem:$0x12200] =	vst v63  }
0x15b: {  	_ =	swait.ge [sflag:s13], $0x800  }
0x15c: {  	[sflag:s13] =	ssyncset.done $0x0  }
0x15d: {  	[sflag:s13] =	ssyncadd.s32 $0xFFFFF800  }
0x15e: {  	_ =	swait.ge [sflag:s13], $0x800  }
0x15f: {  	[sflag:s13] =	ssyncset.done $0x0  }
0x160: {  	[sflag:s13] =	ssyncadd.s32 $0xFFFFF800  }
0x161: {  	_ =	swait.ge [sflag:s13], $0x800  }
0x162: {  	[sflag:s13] =	ssyncset.done $0x0  }
0x163: {  	[sflag:s13] =	ssyncadd.s32 $0xFFFFF800  }
0x164: {  	_ =	swait.ge [sflag:s13], $0x800  }
0x165: {  	[sflag:s13] =	ssyncset.done $0x0  }
0x166: {  	[sflag:s13] =	ssyncadd.s32 $0xFFFFF800  }
0x167: {  	_ =	swait.ge [sflag:s13], $0x800  }
0x168: {  	[sflag:s13] =	ssyncset.done $0x0  }
0x169: {  	[sflag:s13] =	ssyncadd.s32 $0xFFFFF800  }
0x16a: {  	_ =	swait.ge [sflag:s13], $0x800  }
0x16b: {  	[sflag:s13] =	ssyncset.done $0x0  }
0x16c: {  	[sflag:s13] =	ssyncadd.s32 $0xFFFFF800  }
0x16d: {  	_ =	swait.ge [sflag:s13], $0x800  }
0x16e: {  	[sflag:s13] =	ssyncset.done $0x0  }
0x16f: {  	[sflag:s13] =	ssyncadd.s32 $0xFFFFF800  }
0x170: {  	_ =	swait.ge [sflag:s13], $0x800  }
0x171: {  	[sflag:s13] =	ssyncset.done $0x0  }
0x172: {  	[sflag:s13] =	ssyncadd.s32 $0xFFFFF800  }
0x173: {  	_ =	swait.ge [sflag:s13], $0x800  }
0x174: {  	[sflag:s13] =	ssyncset.done $0x0  }
0x175: {  	[sflag:s13] =	ssyncadd.s32 $0xFFFFF800  }
0x176: {  	_ =	swait.ge [sflag:s13], $0x800  }
0x177: {  	[sflag:s13] =	ssyncset.done $0x0  }
0x178: {  	[sflag:s13] =	ssyncadd.s32 $0xFFFFF800  }
0x179: {  	_ =	swait.ge [sflag:s13], $0x800  }
0x17a: {  	[sflag:s13] =	ssyncset.done $0x0  }
0x17b: {  	[sflag:s13] =	ssyncadd.s32 $0xFFFFF800  }
0x17c: {  	_ =	swait.ge [sflag:s13], $0x800  }
0x17d: {  	[sflag:s13] =	ssyncset.done $0x0  }
0x17e: {  	[sflag:s13] =	ssyncadd.s32 $0xFFFFF800  }
0x17f: {  	_ =	swait.ge [sflag:s13], $0x800  }
0x180: {  	[sflag:s13] =	ssyncset.done $0x0  }
0x181: {  	[sflag:s13] =	ssyncadd.s32 $0xFFFFF800  }
0x182: {  	_ =	swait.ge [sflag:s13], $0x800  }
0x183: {  	[sflag:s13] =	ssyncset.done $0x0  }
0x184: {  	[sflag:s13] =	ssyncadd.s32 $0xFFFFF800  }
0x185: {  	_ =	swait.ge [sflag:s13], $0x800  }
0x186: {  	[sflag:s13] =	ssyncset.done $0x0  }
0x187: {  	[sflag:s13] =	ssyncadd.s32 $0xFFFFF800  }
0x188: {  	_ =	swait.ge [sflag:s13], $0x800  }
0x189: {  	[sflag:s13] =	ssyncset.done $0x0  }
0x18a: {  	[sflag:s13] =	ssyncadd.s32 $0xFFFFF800  }
0x18b: {  	_ =	swait.ge [sflag:s13], $0x800  }
0x18c: {  	[sflag:s13] =	ssyncset.done $0x0  }
0x18d: {  	[sflag:s13] =	ssyncadd.s32 $0xFFFFF800  }
0x18e: {  	_ =	swait.ge [sflag:s13], $0x800  }
0x18f: {  	[sflag:s13] =	ssyncset.done $0x0  }
0x190: {  	[sflag:s13] =	ssyncadd.s32 $0xFFFFF800  }
0x191: {  	_ =	swait.ge [sflag:s13], $0x800  }
0x192: {  	[sflag:s13] =	ssyncset.done $0x0  }
0x193: {  	[sflag:s13] =	ssyncadd.s32 $0xFFFFF800  }
0x194: {  	_ =	swait.ge [sflag:s13], $0x800  }
0x195: {  	[sflag:s13] =	ssyncset.done $0x0  }
0x196: {  	[sflag:s13] =	ssyncadd.s32 $0xFFFFF800  }
0x197: {  	_ =	swait.ge [sflag:s13], $0x800  }
0x198: {  	[sflag:s13] =	ssyncset.done $0x0  }
0x199: {  	[sflag:s13] =	ssyncadd.s32 $0xFFFFF800  }
0x19a: {  	_ =	swait.ge [sflag:s13], $0x800  }
0x19b: {  	[sflag:s13] =	ssyncset.done $0x0  }
0x19c: {  	[sflag:s13] =	ssyncadd.s32 $0xFFFFF800  }
0x19d: {  	_ =	swait.ge [sflag:s13], $0x800  }
0x19e: {  	[sflag:s13] =	ssyncset.done $0x0  }
0x19f: {  	[sflag:s13] =	ssyncadd.s32 $0xFFFFF800  }
0x1a0: {  	_ =	swait.ge [sflag:s13], $0x800  }
0x1a1: {  	[sflag:s13] =	ssyncset.done $0x0  }
0x1a2: {  	[sflag:s13] =	ssyncadd.s32 $0xFFFFF800  }
0x1a3: {  	_ =	swait.ge [sflag:s13], $0x800  }
0x1a4: {  	[sflag:s13] =	ssyncset.done $0x0  }
0x1a5: {  	[sflag:s13] =	ssyncadd.s32 $0xFFFFF800  }
0x1a6: {  	_ =	swait.ge [sflag:s13], $0x800  }
0x1a7: {  	[sflag:s13] =	ssyncset.done $0x0  }
0x1a8: {  	[sflag:s13] =	ssyncadd.s32 $0xFFFFF800  }
0x1a9: {  	_ =	swait.ge [sflag:s13], $0x800  }
0x1aa: {  	[sflag:s13] =	ssyncset.done $0x0  }
0x1ab: {  	[sflag:s13] =	ssyncadd.s32 $0xFFFFF800  }
0x1ac: {  	_ =	swait.ge [sflag:s13], $0x800  }
0x1ad: {  	[sflag:s13] =	ssyncset.done $0x0  }
0x1ae: {  	[sflag:s13] =	ssyncadd.s32 $0xFFFFF800  }
0x1af: {  	_ =	swait.ge [sflag:s13], $0x800  }
0x1b0: {  	[sflag:s13] =	ssyncset.done $0x0  }
0x1b1: {  	[sflag:s13] =	ssyncadd.s32 $0xFFFFF800  }
0x1b2: {  	_ =	swait.ge [sflag:s13], $0x800  }
0x1b3: {  	[sflag:s13] =	ssyncset.done $0x0  }
0x1b4: {  	[sflag:s13] =	ssyncadd.s32 $0xFFFFF800  }
0x1b5: {  	_ =	swait.ge [sflag:s13], $0x800  }
0x1b6: {  	v55 =	vor.u32 v1, v17;
	[sflag:s13] =	ssyncset.done $0x0  }
0x1b7: {  	v20 =	vor.u32 v0, v16;
	[sflag:s13] =	ssyncadd.s32 $0xFFFFF800  }
0x1b8: {  	v22 =	vor.u32 v1, v16;
	_ =	swait.ge [sflag:s13], $0x800  }
0x1b9: {  	v21 =	vor.u32 v0, v17;
	[sflag:s13] =	ssyncset.done $0x0  }
0x1ba: {  	v54 =	vor.u32 v2, v17;
	[sflag:s13] =	ssyncadd.s32 $0xFFFFF800  }
0x1bb: {  	v23 =	vor.u32 v2, v16;
	v19 =	vld.idx.msk [tilespmem:v55+s12+$0x0], $0xffff  }
0x1bc: {  	v24 =	vor.u32 v3, v16;
	v20 =	vld.idx.msk [tilespmem:v20+s11+$0x0], $0xffff  }
0x1bd: {  	v25 =	vor.u32 v3, v17;
	v22 =	vld.idx.msk [tilespmem:v22+s11+$0x0], $0xffff  }
0x1be: {  	v26 =	vor.u32 v4, v16;
	v21 =	vld.idx.msk [tilespmem:v21+s12+$0x0], $0xffff  }
0x1bf: {  	v27 =	vor.u32 v4, v17;
	v18 =	vld.idx.msk [tilespmem:v54+s12+$0x0], $0xffff  }
0x1c0: {  	v28 =	vor.u32 v5, v16;
	v23 =	vld.idx.msk [tilespmem:v23+s11+$0x0], $0xffff  }
0x1c1: {  	v29 =	vor.u32 v5, v17;
	v24 =	vld.idx.msk [tilespmem:v24+s11+$0x0], $0xffff  }
0x1c2: {  	v30 =	vor.u32 v6, v16;
	v25 =	vld.idx.msk [tilespmem:v25+s12+$0x0], $0xffff  }
0x1c3: {  	v31 =	vor.u32 v6, v17;
	v26 =	vld.idx.msk [tilespmem:v26+s11+$0x0], $0xffff;
	v19 =	vmul.f32 v19, v22;
	v20 =	vmul.f32 v21, v20  }
0x1c4: {  	v57 =	vor.u32 v7, v16;
	v56 =	vld.idx.msk [tilespmem:v27+s12+$0x0], $0xffff  }
0x1c5: {  	v59 =	vor.u32 v7, v17;
	v58 =	vld.idx.msk [tilespmem:v28+s11+$0x0], $0xffff;
	v18 =	vmul.f32 v18, v23;
	v19 =	vadd.f32 v19, v20  }
0x1c6: {  	v61 =	vor.u32 v8, v16;
	v60 =	vld.idx.msk [tilespmem:v29+s12+$0x0], $0xffff  }
0x1c7: {  	v63 =	vor.u32 v8, v17;
	v62 =	vld.idx.msk [tilespmem:v30+s11+$0x0], $0xffff;
	v24 =	vmul.f32 v25, v24;
	v18 =	vadd.f32 v18, v19  }
0x1c8: {  	v34 =	vor.u32 v9, v16;
	v33 =	vld.idx.msk [tilespmem:v31+s12+$0x0], $0xffff  }
0x1c9: {  	v36 =	vor.u32 v9, v17;
	v35 =	vld.idx.msk [tilespmem:v57+s11+$0x0], $0xffff;
	v22 =	vmul.f32 v56, v26;
	v18 =	vadd.f32 v24, v18  }
0x1ca: {  	v38 =	vor.u32 v10, v16;
	v37 =	vld.idx.msk [tilespmem:v59+s12+$0x0], $0xffff  }
0x1cb: {  	v40 =	vor.u32 v10, v17;
	v39 =	vld.idx.msk [tilespmem:v61+s11+$0x0], $0xffff;
	v21 =	vmul.f32 v60, v58;
	v18 =	vadd.f32 v22, v18  }
0x1cc: {  	v42 =	vor.u32 v11, v16;
	v41 =	vld.idx.msk [tilespmem:v63+s12+$0x0], $0xffff  }
0x1cd: {  	v44 =	vor.u32 v11, v17;
	v43 =	vld.idx.msk [tilespmem:v34+s11+$0x0], $0xffff;
	v20 =	vmul.f32 v33, v62;
	v18 =	vadd.f32 v21, v18  }
0x1ce: {  	v46 =	vor.u32 v12, v16;
	v45 =	vld.idx.msk [tilespmem:v36+s12+$0x0], $0xffff  }
0x1cf: {  	v48 =	vor.u32 v12, v17;
	v47 =	vld.idx.msk [tilespmem:v38+s11+$0x0], $0xffff;
	v19 =	vmul.f32 v37, v35;
	v18 =	vadd.f32 v20, v18  }
0x1d0: {  	v52 =	vor.u32 v13, v17;
	v49 =	vld.idx.msk [tilespmem:v40+s12+$0x0], $0xffff  }
0x1d1: {  	v50 =	vor.u32 v13, v16;
	v51 =	vld.idx.msk [tilespmem:v42+s11+$0x0], $0xffff;
	v23 =	vmul.f32 v41, v39;
	v18 =	vadd.f32 v19, v18  }
0x1d2: {  	v53 =	vld.idx.msk [tilespmem:v44+s12+$0x0], $0xffff;
	v54 =	vor.u32 v14, v16  }
0x1d3: {  	v55 =	vld.idx.msk [tilespmem:v46+s11+$0x0], $0xffff;
	v56 =	vor.u32 v14, v17;
	v22 =	vmul.f32 v45, v43;
	v18 =	vadd.f32 v23, v18  }
0x1d4: {  	v57 =	vld.idx.msk [tilespmem:v48+s12+$0x0], $0xffff;
	v16 =	vor.u32 v15, v16  }
0x1d5: {  	v59 =	vld.idx.msk [tilespmem:v52+s12+$0x0], $0xffff;
	v17 =	vor.u32 v15, v17;
	v21 =	vmul.f32 v49, v47;
	v18 =	vadd.f32 v22, v18  }
0x1d6: {  	v58 =	vld.idx.msk [tilespmem:v50+s11+$0x0], $0xffff  }
0x1d7: {  	v60 =	vld.idx.msk [tilespmem:v54+s11+$0x0], $0xffff;
	v20 =	vmul.f32 v53, v51;
	v18 =	vadd.f32 v21, v18  }
0x1d8: {  	v61 =	vld.idx.msk [tilespmem:v56+s12+$0x0], $0xffff  }
0x1d9: {  	v16 =	vld.idx.msk [tilespmem:v16+s11+$0x0], $0xffff;
	v19 =	vmul.f32 v57, v55;
	v18 =	vadd.f32 v20, v18  }
0x1da: {  	v17 =	vld.idx.msk [tilespmem:v17+s12+$0x0], $0xffff  }
0x1db: {  	v62 =	vmul.f32 v59, v58;
	v18 =	vadd.f32 v19, v18;
	_ =	sdelay $0x1  }
0x1dc: {  	v63 =	vmul.f32 v61, v60;
	v18 =	vadd.f32 v62, v18;
	_ =	sdelay $0x1  }
0x1dd: {  	v16 =	vmul.f32 v17, v16;
	v17 =	vadd.f32 v63, v18;
	_ =	sdelay $0x1  }
0x1de: {  	v16 =	vadd.f32 v16, v17;
	_ =	sdelay $0x1  }
0x1df: {  	v16 =	vsub.f32 $0.0e+00, v16;
	_ =	sdelay $0x1  }
0x1e0: {  	v16 =	vmul.f32 $1.442695020e+00, v16;
	_ =	sdelay $0x1  }
0x1e1: {  	(erf) = vpow2.f32 v16;
	_ =	sdelay $0x6  }
0x1e2: {  	p0 =	sne.s32 s16, $0x3E00  }
.Ltmp0:
0x1e3: {  	_ = 	snop;
	(pc) =	sbr.rel @p0 .LBB2_2-.Ltmp0, $4  }
0x1e4: {  	v16 =	vpop (erf)  }
0x1e5: {  	v16 =	vadd.f32 $1.000000000e+00, v16  }
0x1e6: {  	s18 =	sadd.s32 $0x10, s18  }
0x1e7: {  	s16 =	sadd.s32 $0x200, s16;
	s17 =	smov.u32 s18;
	(erf) = vrcp.f32 v16  }
0x1e8: {  	_ =	sdelay $0x6  }
0x1e9: {  	s15 =	sadd.s32 $0x1, s15  }
0x1ea: {  	p0 =	sne.s32 s15, s6;
	v16 =	vpop (erf)  }
.Ltmp1:
0x1eb: {  	[tilespmem:s17+$0x0] =	vst v16;
	(pc) =	sbr.rel @p0 .LBB2_1-.Ltmp1, $4  }
0x1ec: {  	[hbm4b:s5+s1] =	stream.linear.scatter [tilespmem:s14], [sflag:$0x2], $0x200, $0x38;
	[tilespmem:$0x12200] =	vst v63  }
0x1ed: {  	_ =	swait.ge [sflag:s7], $0x200  }
0x1ee: {  	[sflag:s7] =	ssyncset.done $0x0  }
0x1ef: {  	[sflag:s7] =	ssyncadd.s32 $0xFFFFFE00  }
0x1f0: {  	_ =	sfence.sel $0x180000  }
0x1f1: {  	[bflag:$0x0] =	sbarrier.arrive $0xFFFF  }
0x1f2: {  	p0 =	sne.s32 s2, $0x0;
	_ =	strace $0x90000047  }
0x1f3: {  	s0 =	sadd.s32 @!p0 $0x100000, s0;
	[bflag:$0x2] =	sbarrier.arrive $0xFFFF  }
0x1f4: {  	[sflag:s0] =	ssyncadd.tile.s32 @!p0 $0x1;
	_ =	shalt  }
.Lfunc_end2:
_tile_overlayer_lowered:
.L_overlay_start_2:
0x1f5: {  	(tag) =	ssettag $0x2  }
0x1f6: {  	s0 =	rddreg [dreg:$0x0];
	s2 =	stileid.u32  }
0x1f7: {  	s1 =	rddreg [dreg:$0x1];
	p0 =	sne.s32 s2, $0x0  }
0x1f8: {  	s3 =	rddreg [dreg:$0x2];
	[bflag:$0x3] =	sbarrier.arrive $0xFFFF;
	s2 =	simm.s32 @!p0 $0x1C02  }
0x1f9: {  	[timem:s3], [sflag:s2] =	dma.local @!p0 [hbm:s0], s1  }
0x1fa: {  	s0 =	simm.s32 @!p0 $0x2  }
0x1fb: {  	_ =	swait.ge @!p0 [sflag:s0], s1  }
0x1fc: {  	s1 =	ssub.s32 @!p0 $0x0, s1;
	[sflag:s0] =	ssyncset.done @!p0 $0x0  }
0x1fd: {  	[sflag:s0] =	ssyncadd.s32 @!p0 s1  }
0x1fe: {  	[bflag:$0x3] =	sbarrier.arrive $0xFFFF  }
0x1ff: {  	_ =	shalt  }

</sc_bundles>
